<compile_context>
chip_gen: v7x
topology: tpu7x:2x2x1
jax: 0.10.2.dev20260603
libtpu: 0.0.44.dev20260713+nightly
codegen_flags: <defaults>
</compile_context>

<pallas_src>
import functools

import jax
import jax.numpy as jnp
from jax import lax
from jax.experimental import pallas as pl
from jax.experimental.pallas import tpu as pltpu
from jax.experimental.pallas import tpu_sc as plsc

_NC = 2
_NS = 16
_NW = _NC * _NS
_LANES = 16

_FACES_PER_BLOCK = 128


def _tc_matmul(x, w_r, bias_row, block_n):
  n, c = x.shape
  ko = w_r.shape[1]
  grid = n // block_n

  def body(x_ref, w_ref, b_ref, y_ref):
    y_ref[...] = (
        jnp.dot(x_ref[...], w_ref[...], preferred_element_type=jnp.float32)
        + b_ref[...]
    )

  return pl.pallas_call(
      body,
      grid=(grid,),
      in_specs=[
          pl.BlockSpec((block_n, c), lambda i: (i, 0)),
          pl.BlockSpec((c, ko), lambda i: (0, 0)),
          pl.BlockSpec((1, ko), lambda i: (0, 0)),
      ],
      out_specs=pl.BlockSpec((block_n, ko), lambda i: (i, 0)),
      out_shape=jax.ShapeDtypeStruct((n, ko), jnp.float32),
  )(x, w_r, bias_row)


def _sc_gather_sum(y2, fn_blocks, m_pad, k, c_out):
  f = _FACES_PER_BLOCK
  nb = m_pad // f
  nb_per_w = -(-nb // _NW)

  mesh = plsc.VectorSubcoreMesh(core_axis_name="c", subcore_axis_name="s")

  @functools.partial(
      pl.kernel,
      mesh=mesh,
      out_type=jax.ShapeDtypeStruct((m_pad, c_out), jnp.float32),
      scratch_types=[
          pltpu.VMEM((k, f), jnp.int32),
          pltpu.VMEM((k, f), jnp.int32),
          pltpu.VMEM((f, c_out), jnp.float32),
          pltpu.SemaphoreType.DMA,
      ],
  )
  def sc_kernel(y2_hbm, fn_hbm, out_hbm, fnblk, idxs, acc, sem):
    wid = lax.axis_index("s") * _NC + lax.axis_index("c")
    zero16 = jnp.zeros((_LANES,), jnp.float32)

    def block_body(t, carry):
      b = wid + t * _NW

      @pl.when(b < nb)
      def _():
        pltpu.sync_copy(fn_hbm.at[b], fnblk)
        for kk in range(k):
          for j in range(f // _LANES):
            g = fnblk[kk, pl.ds(j * _LANES, _LANES)]
            idxs[kk, pl.ds(j * _LANES, _LANES)] = g * k + kk
        def zrow(row, carry):
          for j in range(c_out // _LANES):
            acc[row, pl.ds(j * _LANES, _LANES)] = zero16
          return carry

        lax.fori_loop(0, f, zrow, 0)
        descs = [
            pltpu.async_copy(y2_hbm.at[idxs.at[kk]], acc, sem, add=True)
            for kk in range(k)
        ]
        for d in descs:
          d.wait()
        pltpu.sync_copy(acc, out_hbm.at[pl.ds(b * f, f)])

      return carry

    lax.fori_loop(0, nb_per_w, block_body, 0)

  return sc_kernel(y2, fn_blocks)


def kernel(x, face_neighborhood, face_is_pad, pad_size, W, b):
  n, c_in = x.shape
  m, k = face_neighborhood.shape
  c_out = W.shape[0]

  w_r = jnp.transpose(W[:, :, 0, :], (1, 2, 0)).reshape(c_in, k * c_out)
  bias_row = jnp.concatenate(
      [b, jnp.zeros(((k - 1) * c_out,), jnp.float32)]).reshape(1, k * c_out)

  block_n = 1000 if n % 1000 == 0 else 8
  n_pad = -(-n // block_n) * block_n
  xp = x if n_pad == n else jnp.pad(x, ((0, n_pad - n), (0, 0)))

  y = _tc_matmul(xp, w_r, bias_row, block_n)
  y2 = y[:n].reshape(n * k, c_out)

  m_pad = -(-m // _FACES_PER_BLOCK) * _FACES_PER_BLOCK
  fn = face_neighborhood.astype(jnp.int32)
  if m_pad != m:
    fn = jnp.pad(fn, ((0, m_pad - m), (0, 0)))
  fn_blocks = fn.reshape(m_pad // _FACES_PER_BLOCK, _FACES_PER_BLOCK,
                         k).transpose(0, 2, 1)

  out = _sc_gather_sum(y2, fn_blocks, m_pad, k, c_out)
  return out[:m]

# --- scband reference (transcript-rebuilt; emitter-appended) ---
"""Pipeline reference for scband-face-conv-3951369912806 (READ-ONLY COPY).

The authoritative reference and input builder live on the scoring server;
editing this copy changes nothing except your own understanding.
"""

import jax, jax.numpy as jnp
import numpy as np

N = 50000
C_IN = 128
C_OUT = 128
K = 9  # neighborhood_size + 1
M = 50000  # number of faces


def setup_inputs(seed: int = 0) -> dict:
    key = jax.random.key(seed)
    k1, k2, k3, k4 = jax.random.split(key, 4)
    x = jax.random.normal(k1, (N, C_IN), dtype=jnp.float32)
    face_neighborhood = jax.random.randint(k2, (M, K), 0, N)
    face_is_pad = jnp.zeros((N,), dtype=bool)  # no pad faces: pad_size == N
    pad_size = N
    # torch Conv2d(in, out, (1, 9)) params, kaiming-uniform-like init
    fan_in = C_IN * 1 * K
    bound = 1.0 / np.sqrt(fan_in)
    W = jax.random.uniform(k3, (C_OUT, C_IN, 1, K), minval=-bound, maxval=bound, dtype=jnp.float32)
    b = jax.random.uniform(k4, (C_OUT,), minval=-bound, maxval=bound, dtype=jnp.float32)
    return {"x": x, "face_neighborhood": face_neighborhood, "face_is_pad": face_is_pad, "pad_size": pad_size, "W": W, "b": b}


def reference(x, face_neighborhood, face_is_pad, pad_size, W, b):
    # create_faceconv_input: scatter x into padded buffer at non-pad rows
    padded = jnp.zeros((x.shape[0], x.shape[1]), dtype=x.dtype) * jnp.asarray(pad_size, dtype=x.dtype)
    nonpad_idx = jnp.nonzero(jnp.logical_not(face_is_pad), size=x.shape[0])[0]
    padded = padded.at[nonpad_idx].set(x)
    # gather 9 neighbor features per face -> [M, K, C_in]
    gathered = padded[face_neighborhood]
    # Conv2d(C_in, C_out, kernel=(1, K)) on input [M, C_in, 1, K] -> [M, C_out, 1, 1]
    # equivalent to einsum over (k, c): out[m, o] = sum_{k,c} gathered[m,k,c] * W[o,c,0,k] + b[o]
    out = jnp.einsum('mkc,ock->mo', gathered, W[:, :, 0, :]) + b
    return out

if __name__ == "__main__":
    import jax
    _d = setup_inputs()
    print(jax.jit(kernel)(*tuple(_d.values())))

</pallas_src>

<mosaic_0001>
#map = affine_map<(d0, d1) -> (0, 0)>
#map1 = affine_map<(d0, d1) -> (0, 0, 0)>
module attributes {stable_mosaic.version = 14 : i64} {
  func.func @sc_kernel(%arg0: i32, %arg1: i32, %arg2: memref<450000x128xf32, #tpu.memory_space<hbm>>, %arg3: memref<391x9x128xi32, #tpu.memory_space<hbm>>, %arg4: memref<50048x128xf32, #tpu.memory_space<hbm>>, %arg5: memref<9x128xi32, #tpu.memory_space<vmem>>, %arg6: memref<9x128xi32, #tpu.memory_space<vmem>>, %arg7: memref<128x128xf32, #tpu.memory_space<vmem>>, %arg8: memref<!tpu.dma_semaphore, #tpu.memory_space<semaphore_mem>>) attributes {dimension_semantics = [#tpu.dimension_semantics<core_parallel>, #tpu.dimension_semantics<subcore_parallel>], iteration_bounds = array<i64: 2, 16>, scalar_prefetch = 0 : i64, scratch_operands = 4 : i64, tpu.core_type = #tpu.core_type<sc_vector_subcore>, window_params = [{transform_indices = #map}, {transform_indices = #map1}, {transform_indices = #map}]} {
    %mul3A = arith.constant 2 : i32
    %mul3A_0 = arith.muli %arg1, %mul3A : i32
    %add3A = arith.addi %mul3A_0, %arg0 : i32
    %broadcast_in_dim3A = arith.constant 0.000000e+00 : f32
    %broadcast_in_dim3A_1 = vector.broadcast %broadcast_in_dim3A : f32 to vector<16xf32>
    %scan3A = arith.constant 0 : i32
    %scan3A_2 = arith.constant 0 : i32
    %scan3A_3 = arith.constant 13 : i32
    %scan3A_4 = arith.addi %scan3A_2, %scan3A_3 : i32
    %scan3A_5 = arith.constant 1 : i32
    scf.for %scan3A_7 = %scan3A_2 to %scan3A_4 step %scan3A_5  : i32 {
      %mul3A_8 = arith.constant 32 : i32
      %mul3A_9 = arith.muli %scan3A_7, %mul3A_8 : i32
      %add3A_10 = arith.addi %add3A, %mul3A_9 : i32
      %lt3A = arith.constant 391 : i32
      %lt3A_11 = arith.cmpi slt, %add3A_10, %lt3A : i32
      %convert_element_type3A = arith.extui %lt3A_11 : i1 to i32
      %cond3A = arith.constant 0 : i32
      %cond3A_12 = arith.cmpi ne, %convert_element_type3A, %cond3A : i32
      scf.if %cond3A_12 {
        "tpu.region"() ({
          %run_scoped3A = tpu.sem_alloc : memref<!tpu.dma_semaphore, #tpu.memory_space<semaphore_mem>>
          %dma_start3A_1367 = arith.constant 0 : i32
          %dma_start3A_1368 = arith.constant 0 : i32
          %dma_start3A_1369 = tpu.memref_slice %arg3[%add3A_10, %dma_start3A_1367, %dma_start3A_1368] : memref<391x9x128xi32, #tpu.memory_space<hbm>> -> memref<1x9x128xi32, #tpu.memory_space<hbm>>
          %dma_start3A_1370 = tpu.memref_squeeze %dma_start3A_1369 : memref<1x9x128xi32, #tpu.memory_space<hbm>> -> memref<9x128xi32, #tpu.memory_space<hbm>>
          %dma_start3A_1371 = arith.constant 0 : i32
          %dma_start3A_1372 = arith.constant 0 : i32
          %dma_start3A_1373 = tpu.memref_slice %arg3[%add3A_10, %dma_start3A_1371, %dma_start3A_1372] : memref<391x9x128xi32, #tpu.memory_space<hbm>> -> memref<1x9x128xi32, #tpu.memory_space<hbm>>
          %dma_start3A_1374 = tpu.memref_squeeze %dma_start3A_1373 : memref<1x9x128xi32, #tpu.memory_space<hbm>> -> memref<9x128xi32, #tpu.memory_space<hbm>>
          tpu.enqueue_dma source(%dma_start3A_1374 : memref<9x128xi32, #tpu.memory_space<hbm>>) target(%arg5 : memref<9x128xi32, #tpu.memory_space<vmem>>) target_semaphore(%run_scoped3A : memref<!tpu.dma_semaphore, #tpu.memory_space<semaphore_mem>>)
          %dma_wait3A_1375 = arith.constant 0 : i32
          %dma_wait3A_1376 = arith.constant 0 : i32
          %dma_wait3A_1377 = tpu.memref_slice %arg3[%add3A_10, %dma_wait3A_1375, %dma_wait3A_1376] : memref<391x9x128xi32, #tpu.memory_space<hbm>> -> memref<1x9x128xi32, #tpu.memory_space<hbm>>
          %dma_wait3A_1378 = tpu.memref_squeeze %dma_wait3A_1377 : memref<1x9x128xi32, #tpu.memory_space<hbm>> -> memref<9x128xi32, #tpu.memory_space<hbm>>
          %dma_wait3A_1379 = arith.constant 0 : i32
          %dma_wait3A_1380 = arith.constant 0 : i32
          %dma_wait3A_1381 = tpu.memref_slice %arg3[%add3A_10, %dma_wait3A_1379, %dma_wait3A_1380] : memref<391x9x128xi32, #tpu.memory_space<hbm>> -> memref<1x9x128xi32, #tpu.memory_space<hbm>>
          %dma_wait3A_1382 = tpu.memref_squeeze %dma_wait3A_1381 : memref<1x9x128xi32, #tpu.memory_space<hbm>> -> memref<9x128xi32, #tpu.memory_space<hbm>>
          tpu.wait_dma2 semaphore(%run_scoped3A : memref<!tpu.dma_semaphore, #tpu.memory_space<semaphore_mem>>) src(%dma_wait3A_1382 : memref<9x128xi32, #tpu.memory_space<hbm>>) dst(%arg5 : memref<9x128xi32, #tpu.memory_space<vmem>>)
          tpu.yield
        }) : () -> ()
        %get3A = arith.constant 0 : i32
        %get3A_13 = arith.index_cast %get3A : i32 to index
        %get3A_14 = arith.constant 0 : index
        %get3A_15 = tpu.vector_load %arg5[%get3A_13, %get3A_14] {strides = array<i32>} : memref<9x128xi32, #tpu.memory_space<vmem>>, vector<1x16xi32>,
        %get3A_16 = vector.shape_cast %get3A_15 : vector<1x16xi32> to vector<16xi32>
        %mul3A_17 = arith.constant 9 : i32
        %mul3A_18 = vector.broadcast %mul3A_17 : i32 to vector<16xi32>
        %mul3A_19 = arith.muli %get3A_16, %mul3A_18 : vector<16xi32>
        %add3A_20 = arith.constant 0 : i32
        %add3A_21 = vector.broadcast %add3A_20 : i32 to vector<16xi32>
        %add3A_22 = arith.addi %mul3A_19, %add3A_21 : vector<16xi32>
        %swap3A = arith.constant 0 : i32
        %swap3A_23 = arith.index_cast %swap3A : i32 to index
        %swap3A_24 = arith.constant 0 : index
        %swap3A_25 = tpu.vector_load %arg6[%swap3A_23, %swap3A_24] {strides = array<i32>} : memref<9x128xi32, #tpu.memory_space<vmem>>, vector<1x16xi32>,
        %swap3A_26 = vector.shape_cast %swap3A_25 : vector<1x16xi32> to vector<16xi32>
        %swap3A_27 = vector.shape_cast %add3A_22 : vector<16xi32> to vector<1x16xi32>
        tpu.vector_store %arg6[%swap3A_23, %swap3A_24], %swap3A_27 {strides = array<i32>} : memref<9x128xi32, #tpu.memory_space<vmem>>, vector<1x16xi32>,
        %get3A_28 = arith.constant 0 : i32
        %get3A_29 = arith.index_cast %get3A_28 : i32 to index
        %get3A_30 = arith.constant 16 : index
        %get3A_31 = tpu.vector_load %arg5[%get3A_29, %get3A_30] {strides = array<i32>} : memref<9x128xi32, #tpu.memory_space<vmem>>, vector<1x16xi32>,
        %get3A_32 = vector.shape_cast %get3A_31 : vector<1x16xi32> to vector<16xi32>
        %mul3A_33 = arith.constant 9 : i32
        %mul3A_34 = vector.broadcast %mul3A_33 : i32 to vector<16xi32>
        %mul3A_35 = arith.muli %get3A_32, %mul3A_34 : vector<16xi32>
        %add3A_36 = arith.constant 0 : i32
        %add3A_37 = vector.broadcast %add3A_36 : i32 to vector<16xi32>
        %add3A_38 = arith.addi %mul3A_35, %add3A_37 : vector<16xi32>
        %swap3A_39 = arith.constant 0 : i32
        %swap3A_40 = arith.index_cast %swap3A_39 : i32 to index
        %swap3A_41 = arith.constant 16 : index
        %swap3A_42 = tpu.vector_load %arg6[%swap3A_40, %swap3A_41] {strides = array<i32>} : memref<9x128xi32, #tpu.memory_space<vmem>>, vector<1x16xi32>,
        %swap3A_43 = vector.shape_cast %swap3A_42 : vector<1x16xi32> to vector<16xi32>
        %swap3A_44 = vector.shape_cast %add3A_38 : vector<16xi32> to vector<1x16xi32>
        tpu.vector_store %arg6[%swap3A_40, %swap3A_41], %swap3A_44 {strides = array<i32>} : memref<9x128xi32, #tpu.memory_space<vmem>>, vector<1x16xi32>,
        %get3A_45 = arith.constant 0 : i32
        %get3A_46 = arith.index_cast %get3A_45 : i32 to index
        %get3A_47 = arith.constant 32 : index
        %get3A_48 = tpu.vector_load %arg5[%get3A_46, %get3A_47] {strides = array<i32>} : memref<9x128xi32, #tpu.memory_space<vmem>>, vector<1x16xi32>,
        %get3A_49 = vector.shape_cast %get3A_48 : vector<1x16xi32> to vector<16xi32>
        %mul3A_50 = arith.constant 9 : i32
        %mul3A_51 = vector.broadcast %mul3A_50 : i32 to vector<16xi32>
        %mul3A_52 = arith.muli %get3A_49, %mul3A_51 : vector<16xi32>
        %add3A_53 = arith.constant 0 : i32
        %add3A_54 = vector.broadcast %add3A_53 : i32 to vector<16xi32>
        %add3A_55 = arith.addi %mul3A_52, %add3A_54 : vector<16xi32>
        %swap3A_56 = arith.constant 0 : i32
        %swap3A_57 = arith.index_cast %swap3A_56 : i32 to index
        %swap3A_58 = arith.constant 32 : index
        %swap3A_59 = tpu.vector_load %arg6[%swap3A_57, %swap3A_58] {strides = array<i32>} : memref<9x128xi32, #tpu.memory_space<vmem>>, vector<1x16xi32>,
        %swap3A_60 = vector.shape_cast %swap3A_59 : vector<1x16xi32> to vector<16xi32>
        %swap3A_61 = vector.shape_cast %add3A_55 : vector<16xi32> to vector<1x16xi32>
        tpu.vector_store %arg6[%swap3A_57, %swap3A_58], %swap3A_61 {strides = array<i32>} : memref<9x128xi32, #tpu.memory_space<vmem>>, vector<1x16xi32>,
        %get3A_62 = arith.constant 0 : i32
        %get3A_63 = arith.index_cast %get3A_62 : i32 to index
        %get3A_64 = arith.constant 48 : index
        %get3A_65 = tpu.vector_load %arg5[%get3A_63, %get3A_64] {strides = array<i32>} : memref<9x128xi32, #tpu.memory_space<vmem>>, vector<1x16xi32>,
        %get3A_66 = vector.shape_cast %get3A_65 : vector<1x16xi32> to vector<16xi32>
        %mul3A_67 = arith.constant 9 : i32
        %mul3A_68 = vector.broadcast %mul3A_67 : i32 to vector<16xi32>
        %mul3A_69 = arith.muli %get3A_66, %mul3A_68 : vector<16xi32>
        %add3A_70 = arith.constant 0 : i32
        %add3A_71 = vector.broadcast %add3A_70 : i32 to vector<16xi32>
        %add3A_72 = arith.addi %mul3A_69, %add3A_71 : vector<16xi32>
        %swap3A_73 = arith.constant 0 : i32
        %swap3A_74 = arith.index_cast %swap3A_73 : i32 to index
        %swap3A_75 = arith.constant 48 : index
        %swap3A_76 = tpu.vector_load %arg6[%swap3A_74, %swap3A_75] {strides = array<i32>} : memref<9x128xi32, #tpu.memory_space<vmem>>, vector<1x16xi32>,
        %swap3A_77 = vector.shape_cast %swap3A_76 : vector<1x16xi32> to vector<16xi32>
        %swap3A_78 = vector.shape_cast %add3A_72 : vector<16xi32> to vector<1x16xi32>
        tpu.vector_store %arg6[%swap3A_74, %swap3A_75], %swap3A_78 {strides = array<i32>} : memref<9x128xi32, #tpu.memory_space<vmem>>, vector<1x16xi32>,
        %get3A_79 = arith.constant 0 : i32
        %get3A_80 = arith.index_cast %get3A_79 : i32 to index
        %get3A_81 = arith.constant 64 : index
        %get3A_82 = tpu.vector_load %arg5[%get3A_80, %get3A_81] {strides = array<i32>} : memref<9x128xi32, #tpu.memory_space<vmem>>, vector<1x16xi32>,
        %get3A_83 = vector.shape_cast %get3A_82 : vector<1x16xi32> to vector<16xi32>
        %mul3A_84 = arith.constant 9 : i32
        %mul3A_85 = vector.broadcast %mul3A_84 : i32 to vector<16xi32>
        %mul3A_86 = arith.muli %get3A_83, %mul3A_85 : vector<16xi32>
        %add3A_87 = arith.constant 0 : i32
        %add3A_88 = vector.broadcast %add3A_87 : i32 to vector<16xi32>
        %add3A_89 = arith.addi %mul3A_86, %add3A_88 : vector<16xi32>
        %swap3A_90 = arith.constant 0 : i32
        %swap3A_91 = arith.index_cast %swap3A_90 : i32 to index
        %swap3A_92 = arith.constant 64 : index
        %swap3A_93 = tpu.vector_load %arg6[%swap3A_91, %swap3A_92] {strides = array<i32>} : memref<9x128xi32, #tpu.memory_space<vmem>>, vector<1x16xi32>,
        %swap3A_94 = vector.shape_cast %swap3A_93 : vector<1x16xi32> to vector<16xi32>
        %swap3A_95 = vector.shape_cast %add3A_89 : vector<16xi32> to vector<1x16xi32>
        tpu.vector_store %arg6[%swap3A_91, %swap3A_92], %swap3A_95 {strides = array<i32>} : memref<9x128xi32, #tpu.memory_space<vmem>>, vector<1x16xi32>,
        %get3A_96 = arith.constant 0 : i32
        %get3A_97 = arith.index_cast %get3A_96 : i32 to index
        %get3A_98 = arith.constant 80 : index
        %get3A_99 = tpu.vector_load %arg5[%get3A_97, %get3A_98] {strides = array<i32>} : memref<9x128xi32, #tpu.memory_space<vmem>>, vector<1x16xi32>,
        %get3A_100 = vector.shape_cast %get3A_99 : vector<1x16xi32> to vector<16xi32>
        %mul3A_101 = arith.constant 9 : i32
        %mul3A_102 = vector.broadcast %mul3A_101 : i32 to vector<16xi32>
        %mul3A_103 = arith.muli %get3A_100, %mul3A_102 : vector<16xi32>
        %add3A_104 = arith.constant 0 : i32
        %add3A_105 = vector.broadcast %add3A_104 : i32 to vector<16xi32>
        %add3A_106 = arith.addi %mul3A_103, %add3A_105 : vector<16xi32>
        %swap3A_107 = arith.constant 0 : i32
        %swap3A_108 = arith.index_cast %swap3A_107 : i32 to index
        %swap3A_109 = arith.constant 80 : index
        %swap3A_110 = tpu.vector_load %arg6[%swap3A_108, %swap3A_109] {strides = array<i32>} : memref<9x128xi32, #tpu.memory_space<vmem>>, vector<1x16xi32>,
        %swap3A_111 = vector.shape_cast %swap3A_110 : vector<1x16xi32> to vector<16xi32>
        %swap3A_112 = vector.shape_cast %add3A_106 : vector<16xi32> to vector<1x16xi32>
        tpu.vector_store %arg6[%swap3A_108, %swap3A_109], %swap3A_112 {strides = array<i32>} : memref<9x128xi32, #tpu.memory_space<vmem>>, vector<1x16xi32>,
        %get3A_113 = arith.constant 0 : i32
        %get3A_114 = arith.index_cast %get3A_113 : i32 to index
        %get3A_115 = arith.constant 96 : index
        %get3A_116 = tpu.vector_load %arg5[%get3A_114, %get3A_115] {strides = array<i32>} : memref<9x128xi32, #tpu.memory_space<vmem>>, vector<1x16xi32>,
        %get3A_117 = vector.shape_cast %get3A_116 : vector<1x16xi32> to vector<16xi32>
        %mul3A_118 = arith.constant 9 : i32
        %mul3A_119 = vector.broadcast %mul3A_118 : i32 to vector<16xi32>
        %mul3A_120 = arith.muli %get3A_117, %mul3A_119 : vector<16xi32>
        %add3A_121 = arith.constant 0 : i32
        %add3A_122 = vector.broadcast %add3A_121 : i32 to vector<16xi32>
        %add3A_123 = arith.addi %mul3A_120, %add3A_122 : vector<16xi32>
        %swap3A_124 = arith.constant 0 : i32
        %swap3A_125 = arith.index_cast %swap3A_124 : i32 to index
        %swap3A_126 = arith.constant 96 : index
        %swap3A_127 = tpu.vector_load %arg6[%swap3A_125, %swap3A_126] {strides = array<i32>} : memref<9x128xi32, #tpu.memory_space<vmem>>, vector<1x16xi32>,
        %swap3A_128 = vector.shape_cast %swap3A_127 : vector<1x16xi32> to vector<16xi32>
        %swap3A_129 = vector.shape_cast %add3A_123 : vector<16xi32> to vector<1x16xi32>
        tpu.vector_store %arg6[%swap3A_125, %swap3A_126], %swap3A_129 {strides = array<i32>} : memref<9x128xi32, #tpu.memory_space<vmem>>, vector<1x16xi32>,
        %get3A_130 = arith.constant 0 : i32
        %get3A_131 = arith.index_cast %get3A_130 : i32 to index
        %get3A_132 = arith.constant 112 : index
        %get3A_133 = tpu.vector_load %arg5[%get3A_131, %get3A_132] {strides = array<i32>} : memref<9x128xi32, #tpu.memory_space<vmem>>, vector<1x16xi32>,
        %get3A_134 = vector.shape_cast %get3A_133 : vector<1x16xi32> to vector<16xi32>
        %mul3A_135 = arith.constant 9 : i32
        %mul3A_136 = vector.broadcast %mul3A_135 : i32 to vector<16xi32>
        %mul3A_137 = arith.muli %get3A_134, %mul3A_136 : vector<16xi32>
        %add3A_138 = arith.constant 0 : i32
        %add3A_139 = vector.broadcast %add3A_138 : i32 to vector<16xi32>
        %add3A_140 = arith.addi %mul3A_137, %add3A_139 : vector<16xi32>
        %swap3A_141 = arith.constant 0 : i32
        %swap3A_142 = arith.index_cast %swap3A_141 : i32 to index
        %swap3A_143 = arith.constant 112 : index
        %swap3A_144 = tpu.vector_load %arg6[%swap3A_142, %swap3A_143] {strides = array<i32>} : memref<9x128xi32, #tpu.memory_space<vmem>>, vector<1x16xi32>,
        %swap3A_145 = vector.shape_cast %swap3A_144 : vector<1x16xi32> to vector<16xi32>
        %swap3A_146 = vector.shape_cast %add3A_140 : vector<16xi32> to vector<1x16xi32>
        tpu.vector_store %arg6[%swap3A_142, %swap3A_143], %swap3A_146 {strides = array<i32>} : memref<9x128xi32, #tpu.memory_space<vmem>>, vector<1x16xi32>,
        %get3A_147 = arith.constant 1 : i32
        %get3A_148 = arith.index_cast %get3A_147 : i32 to index
        %get3A_149 = arith.constant 0 : index
        %get3A_150 = tpu.vector_load %arg5[%get3A_148, %get3A_149] {strides = array<i32>} : memref<9x128xi32, #tpu.memory_space<vmem>>, vector<1x16xi32>,
        %get3A_151 = vector.shape_cast %get3A_150 : vector<1x16xi32> to vector<16xi32>
        %mul3A_152 = arith.constant 9 : i32
        %mul3A_153 = vector.broadcast %mul3A_152 : i32 to vector<16xi32>
        %mul3A_154 = arith.muli %get3A_151, %mul3A_153 : vector<16xi32>
        %add3A_155 = arith.constant 1 : i32
        %add3A_156 = vector.broadcast %add3A_155 : i32 to vector<16xi32>
        %add3A_157 = arith.addi %mul3A_154, %add3A_156 : vector<16xi32>
        %swap3A_158 = arith.constant 1 : i32
        %swap3A_159 = arith.index_cast %swap3A_158 : i32 to index
        %swap3A_160 = arith.constant 0 : index
        %swap3A_161 = tpu.vector_load %arg6[%swap3A_159, %swap3A_160] {strides = array<i32>} : memref<9x128xi32, #tpu.memory_space<vmem>>, vector<1x16xi32>,
        %swap3A_162 = vector.shape_cast %swap3A_161 : vector<1x16xi32> to vector<16xi32>
        %swap3A_163 = vector.shape_cast %add3A_157 : vector<16xi32> to vector<1x16xi32>
        tpu.vector_store %arg6[%swap3A_159, %swap3A_160], %swap3A_163 {strides = array<i32>} : memref<9x128xi32, #tpu.memory_space<vmem>>, vector<1x16xi32>,
        %get3A_164 = arith.constant 1 : i32
        %get3A_165 = arith.index_cast %get3A_164 : i32 to index
        %get3A_166 = arith.constant 16 : index
        %get3A_167 = tpu.vector_load %arg5[%get3A_165, %get3A_166] {strides = array<i32>} : memref<9x128xi32, #tpu.memory_space<vmem>>, vector<1x16xi32>,
        %get3A_168 = vector.shape_cast %get3A_167 : vector<1x16xi32> to vector<16xi32>
        %mul3A_169 = arith.constant 9 : i32
        %mul3A_170 = vector.broadcast %mul3A_169 : i32 to vector<16xi32>
        %mul3A_171 = arith.muli %get3A_168, %mul3A_170 : vector<16xi32>
        %add3A_172 = arith.constant 1 : i32
        %add3A_173 = vector.broadcast %add3A_172 : i32 to vector<16xi32>
        %add3A_174 = arith.addi %mul3A_171, %add3A_173 : vector<16xi32>
        %swap3A_175 = arith.constant 1 : i32
        %swap3A_176 = arith.index_cast %swap3A_175 : i32 to index
        %swap3A_177 = arith.constant 16 : index
        %swap3A_178 = tpu.vector_load %arg6[%swap3A_176, %swap3A_177] {strides = array<i32>} : memref<9x128xi32, #tpu.memory_space<vmem>>, vector<1x16xi32>,
        %swap3A_179 = vector.shape_cast %swap3A_178 : vector<1x16xi32> to vector<16xi32>
        %swap3A_180 = vector.shape_cast %add3A_174 : vector<16xi32> to vector<1x16xi32>
        tpu.vector_store %arg6[%swap3A_176, %swap3A_177], %swap3A_180 {strides = array<i32>} : memref<9x128xi32, #tpu.memory_space<vmem>>, vector<1x16xi32>,
        %get3A_181 = arith.constant 1 : i32
        %get3A_182 = arith.index_cast %get3A_181 : i32 to index
        %get3A_183 = arith.constant 32 : index
        %get3A_184 = tpu.vector_load %arg5[%get3A_182, %get3A_183] {strides = array<i32>} : memref<9x128xi32, #tpu.memory_space<vmem>>, vector<1x16xi32>,
        %get3A_185 = vector.shape_cast %get3A_184 : vector<1x16xi32> to vector<16xi32>
        %mul3A_186 = arith.constant 9 : i32
        %mul3A_187 = vector.broadcast %mul3A_186 : i32 to vector<16xi32>
        %mul3A_188 = arith.muli %get3A_185, %mul3A_187 : vector<16xi32>
        %add3A_189 = arith.constant 1 : i32
        %add3A_190 = vector.broadcast %add3A_189 : i32 to vector<16xi32>
        %add3A_191 = arith.addi %mul3A_188, %add3A_190 : vector<16xi32>
        %swap3A_192 = arith.constant 1 : i32
        %swap3A_193 = arith.index_cast %swap3A_192 : i32 to index
        %swap3A_194 = arith.constant 32 : index
        %swap3A_195 = tpu.vector_load %arg6[%swap3A_193, %swap3A_194] {strides = array<i32>} : memref<9x128xi32, #tpu.memory_space<vmem>>, vector<1x16xi32>,
        %swap3A_196 = vector.shape_cast %swap3A_195 : vector<1x16xi32> to vector<16xi32>
        %swap3A_197 = vector.shape_cast %add3A_191 : vector<16xi32> to vector<1x16xi32>
        tpu.vector_store %arg6[%swap3A_193, %swap3A_194], %swap3A_197 {strides = array<i32>} : memref<9x128xi32, #tpu.memory_space<vmem>>, vector<1x16xi32>,
        %get3A_198 = arith.constant 1 : i32
        %get3A_199 = arith.index_cast %get3A_198 : i32 to index
        %get3A_200 = arith.constant 48 : index
        %get3A_201 = tpu.vector_load %arg5[%get3A_199, %get3A_200] {strides = array<i32>} : memref<9x128xi32, #tpu.memory_space<vmem>>, vector<1x16xi32>,
        %get3A_202 = vector.shape_cast %get3A_201 : vector<1x16xi32> to vector<16xi32>
        %mul3A_203 = arith.constant 9 : i32
        %mul3A_204 = vector.broadcast %mul3A_203 : i32 to vector<16xi32>
        %mul3A_205 = arith.muli %get3A_202, %mul3A_204 : vector<16xi32>
        %add3A_206 = arith.constant 1 : i32
        %add3A_207 = vector.broadcast %add3A_206 : i32 to vector<16xi32>
        %add3A_208 = arith.addi %mul3A_205, %add3A_207 : vector<16xi32>
        %swap3A_209 = arith.constant 1 : i32
        %swap3A_210 = arith.index_cast %swap3A_209 : i32 to index
        %swap3A_211 = arith.constant 48 : index
        %swap3A_212 = tpu.vector_load %arg6[%swap3A_210, %swap3A_211] {strides = array<i32>} : memref<9x128xi32, #tpu.memory_space<vmem>>, vector<1x16xi32>,
        %swap3A_213 = vector.shape_cast %swap3A_212 : vector<1x16xi32> to vector<16xi32>
        %swap3A_214 = vector.shape_cast %add3A_208 : vector<16xi32> to vector<1x16xi32>
        tpu.vector_store %arg6[%swap3A_210, %swap3A_211], %swap3A_214 {strides = array<i32>} : memref<9x128xi32, #tpu.memory_space<vmem>>, vector<1x16xi32>,
        %get3A_215 = arith.constant 1 : i32
        %get3A_216 = arith.index_cast %get3A_215 : i32 to index
        %get3A_217 = arith.constant 64 : index
        %get3A_218 = tpu.vector_load %arg5[%get3A_216, %get3A_217] {strides = array<i32>} : memref<9x128xi32, #tpu.memory_space<vmem>>, vector<1x16xi32>,
        %get3A_219 = vector.shape_cast %get3A_218 : vector<1x16xi32> to vector<16xi32>
        %mul3A_220 = arith.constant 9 : i32
        %mul3A_221 = vector.broadcast %mul3A_220 : i32 to vector<16xi32>
        %mul3A_222 = arith.muli %get3A_219, %mul3A_221 : vector<16xi32>
        %add3A_223 = arith.constant 1 : i32
        %add3A_224 = vector.broadcast %add3A_223 : i32 to vector<16xi32>
        %add3A_225 = arith.addi %mul3A_222, %add3A_224 : vector<16xi32>
        %swap3A_226 = arith.constant 1 : i32
        %swap3A_227 = arith.index_cast %swap3A_226 : i32 to index
        %swap3A_228 = arith.constant 64 : index
        %swap3A_229 = tpu.vector_load %arg6[%swap3A_227, %swap3A_228] {strides = array<i32>} : memref<9x128xi32, #tpu.memory_space<vmem>>, vector<1x16xi32>,
        %swap3A_230 = vector.shape_cast %swap3A_229 : vector<1x16xi32> to vector<16xi32>
        %swap3A_231 = vector.shape_cast %add3A_225 : vector<16xi32> to vector<1x16xi32>
        tpu.vector_store %arg6[%swap3A_227, %swap3A_228], %swap3A_231 {strides = array<i32>} : memref<9x128xi32, #tpu.memory_space<vmem>>, vector<1x16xi32>,
        %get3A_232 = arith.constant 1 : i32
        %get3A_233 = arith.index_cast %get3A_232 : i32 to index
        %get3A_234 = arith.constant 80 : index
        %get3A_235 = tpu.vector_load %arg5[%get3A_233, %get3A_234] {strides = array<i32>} : memref<9x128xi32, #tpu.memory_space<vmem>>, vector<1x16xi32>,
        %get3A_236 = vector.shape_cast %get3A_235 : vector<1x16xi32> to vector<16xi32>
        %mul3A_237 = arith.constant 9 : i32
        %mul3A_238 = vector.broadcast %mul3A_237 : i32 to vector<16xi32>
        %mul3A_239 = arith.muli %get3A_236, %mul3A_238 : vector<16xi32>
        %add3A_240 = arith.constant 1 : i32
        %add3A_241 = vector.broadcast %add3A_240 : i32 to vector<16xi32>
        %add3A_242 = arith.addi %mul3A_239, %add3A_241 : vector<16xi32>
        %swap3A_243 = arith.constant 1 : i32
        %swap3A_244 = arith.index_cast %swap3A_243 : i32 to index
        %swap3A_245 = arith.constant 80 : index
        %swap3A_246 = tpu.vector_load %arg6[%swap3A_244, %swap3A_245] {strides = array<i32>} : memref<9x128xi32, #tpu.memory_space<vmem>>, vector<1x16xi32>,
        %swap3A_247 = vector.shape_cast %swap3A_246 : vector<1x16xi32> to vector<16xi32>
        %swap3A_248 = vector.shape_cast %add3A_242 : vector<16xi32> to vector<1x16xi32>
        tpu.vector_store %arg6[%swap3A_244, %swap3A_245], %swap3A_248 {strides = array<i32>} : memref<9x128xi32, #tpu.memory_space<vmem>>, vector<1x16xi32>,
        %get3A_249 = arith.constant 1 : i32
        %get3A_250 = arith.index_cast %get3A_249 : i32 to index
        %get3A_251 = arith.constant 96 : index
        %get3A_252 = tpu.vector_load %arg5[%get3A_250, %get3A_251] {strides = array<i32>} : memref<9x128xi32, #tpu.memory_space<vmem>>, vector<1x16xi32>,
        %get3A_253 = vector.shape_cast %get3A_252 : vector<1x16xi32> to vector<16xi32>
        %mul3A_254 = arith.constant 9 : i32
        %mul3A_255 = vector.broadcast %mul3A_254 : i32 to vector<16xi32>
        %mul3A_256 = arith.muli %get3A_253, %mul3A_255 : vector<16xi32>
        %add3A_257 = arith.constant 1 : i32
        %add3A_258 = vector.broadcast %add3A_257 : i32 to vector<16xi32>
        %add3A_259 = arith.addi %mul3A_256, %add3A_258 : vector<16xi32>
        %swap3A_260 = arith.constant 1 : i32
        %swap3A_261 = arith.index_cast %swap3A_260 : i32 to index
        %swap3A_262 = arith.constant 96 : index
        %swap3A_263 = tpu.vector_load %arg6[%swap3A_261, %swap3A_262] {strides = array<i32>} : memref<9x128xi32, #tpu.memory_space<vmem>>, vector<1x16xi32>,
        %swap3A_264 = vector.shape_cast %swap3A_263 : vector<1x16xi32> to vector<16xi32>
        %swap3A_265 = vector.shape_cast %add3A_259 : vector<16xi32> to vector<1x16xi32>
        tpu.vector_store %arg6[%swap3A_261, %swap3A_262], %swap3A_265 {strides = array<i32>} : memref<9x128xi32, #tpu.memory_space<vmem>>, vector<1x16xi32>,
        %get3A_266 = arith.constant 1 : i32
        %get3A_267 = arith.index_cast %get3A_266 : i32 to index
        %get3A_268 = arith.constant 112 : index
        %get3A_269 = tpu.vector_load %arg5[%get3A_267, %get3A_268] {strides = array<i32>} : memref<9x128xi32, #tpu.memory_space<vmem>>, vector<1x16xi32>,
        %get3A_270 = vector.shape_cast %get3A_269 : vector<1x16xi32> to vector<16xi32>
        %mul3A_271 = arith.constant 9 : i32
        %mul3A_272 = vector.broadcast %mul3A_271 : i32 to vector<16xi32>
        %mul3A_273 = arith.muli %get3A_270, %mul3A_272 : vector<16xi32>
        %add3A_274 = arith.constant 1 : i32
        %add3A_275 = vector.broadcast %add3A_274 : i32 to vector<16xi32>
        %add3A_276 = arith.addi %mul3A_273, %add3A_275 : vector<16xi32>
        %swap3A_277 = arith.constant 1 : i32
        %swap3A_278 = arith.index_cast %swap3A_277 : i32 to index
        %swap3A_279 = arith.constant 112 : index
        %swap3A_280 = tpu.vector_load %arg6[%swap3A_278, %swap3A_279] {strides = array<i32>} : memref<9x128xi32, #tpu.memory_space<vmem>>, vector<1x16xi32>,
        %swap3A_281 = vector.shape_cast %swap3A_280 : vector<1x16xi32> to vector<16xi32>
        %swap3A_282 = vector.shape_cast %add3A_276 : vector<16xi32> to vector<1x16xi32>
        tpu.vector_store %arg6[%swap3A_278, %swap3A_279], %swap3A_282 {strides = array<i32>} : memref<9x128xi32, #tpu.memory_space<vmem>>, vector<1x16xi32>,
        %get3A_283 = arith.constant 2 : i32
        %get3A_284 = arith.index_cast %get3A_283 : i32 to index
        %get3A_285 = arith.constant 0 : index
        %get3A_286 = tpu.vector_load %arg5[%get3A_284, %get3A_285] {strides = array<i32>} : memref<9x128xi32, #tpu.memory_space<vmem>>, vector<1x16xi32>,
        %get3A_287 = vector.shape_cast %get3A_286 : vector<1x16xi32> to vector<16xi32>
        %mul3A_288 = arith.constant 9 : i32
        %mul3A_289 = vector.broadcast %mul3A_288 : i32 to vector<16xi32>
        %mul3A_290 = arith.muli %get3A_287, %mul3A_289 : vector<16xi32>
        %add3A_291 = arith.constant 2 : i32
        %add3A_292 = vector.broadcast %add3A_291 : i32 to vector<16xi32>
        %add3A_293 = arith.addi %mul3A_290, %add3A_292 : vector<16xi32>
        %swap3A_294 = arith.constant 2 : i32
        %swap3A_295 = arith.index_cast %swap3A_294 : i32 to index
        %swap3A_296 = arith.constant 0 : index
        %swap3A_297 = tpu.vector_load %arg6[%swap3A_295, %swap3A_296] {strides = array<i32>} : memref<9x128xi32, #tpu.memory_space<vmem>>, vector<1x16xi32>,
        %swap3A_298 = vector.shape_cast %swap3A_297 : vector<1x16xi32> to vector<16xi32>
        %swap3A_299 = vector.shape_cast %add3A_293 : vector<16xi32> to vector<1x16xi32>
        tpu.vector_store %arg6[%swap3A_295, %swap3A_296], %swap3A_299 {strides = array<i32>} : memref<9x128xi32, #tpu.memory_space<vmem>>, vector<1x16xi32>,
        %get3A_300 = arith.constant 2 : i32
        %get3A_301 = arith.index_cast %get3A_300 : i32 to index
        %get3A_302 = arith.constant 16 : index
        %get3A_303 = tpu.vector_load %arg5[%get3A_301, %get3A_302] {strides = array<i32>} : memref<9x128xi32, #tpu.memory_space<vmem>>, vector<1x16xi32>,
        %get3A_304 = vector.shape_cast %get3A_303 : vector<1x16xi32> to vector<16xi32>
        %mul3A_305 = arith.constant 9 : i32
        %mul3A_306 = vector.broadcast %mul3A_305 : i32 to vector<16xi32>
        %mul3A_307 = arith.muli %get3A_304, %mul3A_306 : vector<16xi32>
        %add3A_308 = arith.constant 2 : i32
        %add3A_309 = vector.broadcast %add3A_308 : i32 to vector<16xi32>
        %add3A_310 = arith.addi %mul3A_307, %add3A_309 : vector<16xi32>
        %swap3A_311 = arith.constant 2 : i32
        %swap3A_312 = arith.index_cast %swap3A_311 : i32 to index
        %swap3A_313 = arith.constant 16 : index
        %swap3A_314 = tpu.vector_load %arg6[%swap3A_312, %swap3A_313] {strides = array<i32>} : memref<9x128xi32, #tpu.memory_space<vmem>>, vector<1x16xi32>,
        %swap3A_315 = vector.shape_cast %swap3A_314 : vector<1x16xi32> to vector<16xi32>
        %swap3A_316 = vector.shape_cast %add3A_310 : vector<16xi32> to vector<1x16xi32>
        tpu.vector_store %arg6[%swap3A_312, %swap3A_313], %swap3A_316 {strides = array<i32>} : memref<9x128xi32, #tpu.memory_space<vmem>>, vector<1x16xi32>,
        %get3A_317 = arith.constant 2 : i32
        %get3A_318 = arith.index_cast %get3A_317 : i32 to index
        %get3A_319 = arith.constant 32 : index
        %get3A_320 = tpu.vector_load %arg5[%get3A_318, %get3A_319] {strides = array<i32>} : memref<9x128xi32, #tpu.memory_space<vmem>>, vector<1x16xi32>,
        %get3A_321 = vector.shape_cast %get3A_320 : vector<1x16xi32> to vector<16xi32>
        %mul3A_322 = arith.constant 9 : i32
        %mul3A_323 = vector.broadcast %mul3A_322 : i32 to vector<16xi32>
        %mul3A_324 = arith.muli %get3A_321, %mul3A_323 : vector<16xi32>
        %add3A_325 = arith.constant 2 : i32
        %add3A_326 = vector.broadcast %add3A_325 : i32 to vector<16xi32>
        %add3A_327 = arith.addi %mul3A_324, %add3A_326 : vector<16xi32>
        %swap3A_328 = arith.constant 2 : i32
        %swap3A_329 = arith.index_cast %swap3A_328 : i32 to index
        %swap3A_330 = arith.constant 32 : index
        %swap3A_331 = tpu.vector_load %arg6[%swap3A_329, %swap3A_330] {strides = array<i32>} : memref<9x128xi32, #tpu.memory_space<vmem>>, vector<1x16xi32>,
        %swap3A_332 = vector.shape_cast %swap3A_331 : vector<1x16xi32> to vector<16xi32>
        %swap3A_333 = vector.shape_cast %add3A_327 : vector<16xi32> to vector<1x16xi32>
        tpu.vector_store %arg6[%swap3A_329, %swap3A_330], %swap3A_333 {strides = array<i32>} : memref<9x128xi32, #tpu.memory_space<vmem>>, vector<1x16xi32>,
        %get3A_334 = arith.constant 2 : i32
        %get3A_335 = arith.index_cast %get3A_334 : i32 to index
        %get3A_336 = arith.constant 48 : index
        %get3A_337 = tpu.vector_load %arg5[%get3A_335, %get3A_336] {strides = array<i32>} : memref<9x128xi32, #tpu.memory_space<vmem>>, vector<1x16xi32>,
        %get3A_338 = vector.shape_cast %get3A_337 : vector<1x16xi32> to vector<16xi32>
        %mul3A_339 = arith.constant 9 : i32
        %mul3A_340 = vector.broadcast %mul3A_339 : i32 to vector<16xi32>
        %mul3A_341 = arith.muli %get3A_338, %mul3A_340 : vector<16xi32>
        %add3A_342 = arith.constant 2 : i32
        %add3A_343 = vector.broadcast %add3A_342 : i32 to vector<16xi32>
        %add3A_344 = arith.addi %mul3A_341, %add3A_343 : vector<16xi32>
        %swap3A_345 = arith.constant 2 : i32
        %swap3A_346 = arith.index_cast %swap3A_345 : i32 to index
        %swap3A_347 = arith.constant 48 : index
        %swap3A_348 = tpu.vector_load %arg6[%swap3A_346, %swap3A_347] {strides = array<i32>} : memref<9x128xi32, #tpu.memory_space<vmem>>, vector<1x16xi32>,
        %swap3A_349 = vector.shape_cast %swap3A_348 : vector<1x16xi32> to vector<16xi32>
        %swap3A_350 = vector.shape_cast %add3A_344 : vector<16xi32> to vector<1x16xi32>
        tpu.vector_store %arg6[%swap3A_346, %swap3A_347], %swap3A_350 {strides = array<i32>} : memref<9x128xi32, #tpu.memory_space<vmem>>, vector<1x16xi32>,
        %get3A_351 = arith.constant 2 : i32
        %get3A_352 = arith.index_cast %get3A_351 : i32 to index
        %get3A_353 = arith.constant 64 : index
        %get3A_354 = tpu.vector_load %arg5[%get3A_352, %get3A_353] {strides = array<i32>} : memref<9x128xi32, #tpu.memory_space<vmem>>, vector<1x16xi32>,
        %get3A_355 = vector.shape_cast %get3A_354 : vector<1x16xi32> to vector<16xi32>
        %mul3A_356 = arith.constant 9 : i32
        %mul3A_357 = vector.broadcast %mul3A_356 : i32 to vector<16xi32>
        %mul3A_358 = arith.muli %get3A_355, %mul3A_357 : vector<16xi32>
        %add3A_359 = arith.constant 2 : i32
        %add3A_360 = vector.broadcast %add3A_359 : i32 to vector<16xi32>
        %add3A_361 = arith.addi %mul3A_358, %add3A_360 : vector<16xi32>
        %swap3A_362 = arith.constant 2 : i32
        %swap3A_363 = arith.index_cast %swap3A_362 : i32 to index
        %swap3A_364 = arith.constant 64 : index
        %swap3A_365 = tpu.vector_load %arg6[%swap3A_363, %swap3A_364] {strides = array<i32>} : memref<9x128xi32, #tpu.memory_space<vmem>>, vector<1x16xi32>,
        %swap3A_366 = vector.shape_cast %swap3A_365 : vector<1x16xi32> to vector<16xi32>
        %swap3A_367 = vector.shape_cast %add3A_361 : vector<16xi32> to vector<1x16xi32>
        tpu.vector_store %arg6[%swap3A_363, %swap3A_364], %swap3A_367 {strides = array<i32>} : memref<9x128xi32, #tpu.memory_space<vmem>>, vector<1x16xi32>,
        %get3A_368 = arith.constant 2 : i32
        %get3A_369 = arith.index_cast %get3A_368 : i32 to index
        %get3A_370 = arith.constant 80 : index
        %get3A_371 = tpu.vector_load %arg5[%get3A_369, %get3A_370] {strides = array<i32>} : memref<9x128xi32, #tpu.memory_space<vmem>>, vector<1x16xi32>,
        %get3A_372 = vector.shape_cast %get3A_371 : vector<1x16xi32> to vector<16xi32>
        %mul3A_373 = arith.constant 9 : i32
        %mul3A_374 = vector.broadcast %mul3A_373 : i32 to vector<16xi32>
        %mul3A_375 = arith.muli %get3A_372, %mul3A_374 : vector<16xi32>
        %add3A_376 = arith.constant 2 : i32
        %add3A_377 = vector.broadcast %add3A_376 : i32 to vector<16xi32>
        %add3A_378 = arith.addi %mul3A_375, %add3A_377 : vector<16xi32>
        %swap3A_379 = arith.constant 2 : i32
        %swap3A_380 = arith.index_cast %swap3A_379 : i32 to index
        %swap3A_381 = arith.constant 80 : index
        %swap3A_382 = tpu.vector_load %arg6[%swap3A_380, %swap3A_381] {strides = array<i32>} : memref<9x128xi32, #tpu.memory_space<vmem>>, vector<1x16xi32>,
        %swap3A_383 = vector.shape_cast %swap3A_382 : vector<1x16xi32> to vector<16xi32>
        %swap3A_384 = vector.shape_cast %add3A_378 : vector<16xi32> to vector<1x16xi32>
        tpu.vector_store %arg6[%swap3A_380, %swap3A_381], %swap3A_384 {strides = array<i32>} : memref<9x128xi32, #tpu.memory_space<vmem>>, vector<1x16xi32>,
        %get3A_385 = arith.constant 2 : i32
        %get3A_386 = arith.index_cast %get3A_385 : i32 to index
        %get3A_387 = arith.constant 96 : index
        %get3A_388 = tpu.vector_load %arg5[%get3A_386, %get3A_387] {strides = array<i32>} : memref<9x128xi32, #tpu.memory_space<vmem>>, vector<1x16xi32>,
        %get3A_389 = vector.shape_cast %get3A_388 : vector<1x16xi32> to vector<16xi32>
        %mul3A_390 = arith.constant 9 : i32
        %mul3A_391 = vector.broadcast %mul3A_390 : i32 to vector<16xi32>
        %mul3A_392 = arith.muli %get3A_389, %mul3A_391 : vector<16xi32>
        %add3A_393 = arith.constant 2 : i32
        %add3A_394 = vector.broadcast %add3A_393 : i32 to vector<16xi32>
        %add3A_395 = arith.addi %mul3A_392, %add3A_394 : vector<16xi32>
        %swap3A_396 = arith.constant 2 : i32
        %swap3A_397 = arith.index_cast %swap3A_396 : i32 to index
        %swap3A_398 = arith.constant 96 : index
        %swap3A_399 = tpu.vector_load %arg6[%swap3A_397, %swap3A_398] {strides = array<i32>} : memref<9x128xi32, #tpu.memory_space<vmem>>, vector<1x16xi32>,
        %swap3A_400 = vector.shape_cast %swap3A_399 : vector<1x16xi32> to vector<16xi32>
        %swap3A_401 = vector.shape_cast %add3A_395 : vector<16xi32> to vector<1x16xi32>
        tpu.vector_store %arg6[%swap3A_397, %swap3A_398], %swap3A_401 {strides = array<i32>} : memref<9x128xi32, #tpu.memory_space<vmem>>, vector<1x16xi32>,
        %get3A_402 = arith.constant 2 : i32
        %get3A_403 = arith.index_cast %get3A_402 : i32 to index
        %get3A_404 = arith.constant 112 : index
        %get3A_405 = tpu.vector_load %arg5[%get3A_403, %get3A_404] {strides = array<i32>} : memref<9x128xi32, #tpu.memory_space<vmem>>, vector<1x16xi32>,
        %get3A_406 = vector.shape_cast %get3A_405 : vector<1x16xi32> to vector<16xi32>
        %mul3A_407 = arith.constant 9 : i32
        %mul3A_408 = vector.broadcast %mul3A_407 : i32 to vector<16xi32>
        %mul3A_409 = arith.muli %get3A_406, %mul3A_408 : vector<16xi32>
        %add3A_410 = arith.constant 2 : i32
        %add3A_411 = vector.broadcast %add3A_410 : i32 to vector<16xi32>
        %add3A_412 = arith.addi %mul3A_409, %add3A_411 : vector<16xi32>
        %swap3A_413 = arith.constant 2 : i32
        %swap3A_414 = arith.index_cast %swap3A_413 : i32 to index
        %swap3A_415 = arith.constant 112 : index
        %swap3A_416 = tpu.vector_load %arg6[%swap3A_414, %swap3A_415] {strides = array<i32>} : memref<9x128xi32, #tpu.memory_space<vmem>>, vector<1x16xi32>,
        %swap3A_417 = vector.shape_cast %swap3A_416 : vector<1x16xi32> to vector<16xi32>
        %swap3A_418 = vector.shape_cast %add3A_412 : vector<16xi32> to vector<1x16xi32>
        tpu.vector_store %arg6[%swap3A_414, %swap3A_415], %swap3A_418 {strides = array<i32>} : memref<9x128xi32, #tpu.memory_space<vmem>>, vector<1x16xi32>,
        %get3A_419 = arith.constant 3 : i32
        %get3A_420 = arith.index_cast %get3A_419 : i32 to index
        %get3A_421 = arith.constant 0 : index
        %get3A_422 = tpu.vector_load %arg5[%get3A_420, %get3A_421] {strides = array<i32>} : memref<9x128xi32, #tpu.memory_space<vmem>>, vector<1x16xi32>,
        %get3A_423 = vector.shape_cast %get3A_422 : vector<1x16xi32> to vector<16xi32>
        %mul3A_424 = arith.constant 9 : i32
        %mul3A_425 = vector.broadcast %mul3A_424 : i32 to vector<16xi32>
        %mul3A_426 = arith.muli %get3A_423, %mul3A_425 : vector<16xi32>
        %add3A_427 = arith.constant 3 : i32
        %add3A_428 = vector.broadcast %add3A_427 : i32 to vector<16xi32>
        %add3A_429 = arith.addi %mul3A_426, %add3A_428 : vector<16xi32>
        %swap3A_430 = arith.constant 3 : i32
        %swap3A_431 = arith.index_cast %swap3A_430 : i32 to index
        %swap3A_432 = arith.constant 0 : index
        %swap3A_433 = tpu.vector_load %arg6[%swap3A_431, %swap3A_432] {strides = array<i32>} : memref<9x128xi32, #tpu.memory_space<vmem>>, vector<1x16xi32>,
        %swap3A_434 = vector.shape_cast %swap3A_433 : vector<1x16xi32> to vector<16xi32>
        %swap3A_435 = vector.shape_cast %add3A_429 : vector<16xi32> to vector<1x16xi32>
        tpu.vector_store %arg6[%swap3A_431, %swap3A_432], %swap3A_435 {strides = array<i32>} : memref<9x128xi32, #tpu.memory_space<vmem>>, vector<1x16xi32>,
        %get3A_436 = arith.constant 3 : i32
        %get3A_437 = arith.index_cast %get3A_436 : i32 to index
        %get3A_438 = arith.constant 16 : index
        %get3A_439 = tpu.vector_load %arg5[%get3A_437, %get3A_438] {strides = array<i32>} : memref<9x128xi32, #tpu.memory_space<vmem>>, vector<1x16xi32>,
        %get3A_440 = vector.shape_cast %get3A_439 : vector<1x16xi32> to vector<16xi32>
        %mul3A_441 = arith.constant 9 : i32
        %mul3A_442 = vector.broadcast %mul3A_441 : i32 to vector<16xi32>
        %mul3A_443 = arith.muli %get3A_440, %mul3A_442 : vector<16xi32>
        %add3A_444 = arith.constant 3 : i32
        %add3A_445 = vector.broadcast %add3A_444 : i32 to vector<16xi32>
        %add3A_446 = arith.addi %mul3A_443, %add3A_445 : vector<16xi32>
        %swap3A_447 = arith.constant 3 : i32
        %swap3A_448 = arith.index_cast %swap3A_447 : i32 to index
        %swap3A_449 = arith.constant 16 : index
        %swap3A_450 = tpu.vector_load %arg6[%swap3A_448, %swap3A_449] {strides = array<i32>} : memref<9x128xi32, #tpu.memory_space<vmem>>, vector<1x16xi32>,
        %swap3A_451 = vector.shape_cast %swap3A_450 : vector<1x16xi32> to vector<16xi32>
        %swap3A_452 = vector.shape_cast %add3A_446 : vector<16xi32> to vector<1x16xi32>
        tpu.vector_store %arg6[%swap3A_448, %swap3A_449], %swap3A_452 {strides = array<i32>} : memref<9x128xi32, #tpu.memory_space<vmem>>, vector<1x16xi32>,
        %get3A_453 = arith.constant 3 : i32
        %get3A_454 = arith.index_cast %get3A_453 : i32 to index
        %get3A_455 = arith.constant 32 : index
        %get3A_456 = tpu.vector_load %arg5[%get3A_454, %get3A_455] {strides = array<i32>} : memref<9x128xi32, #tpu.memory_space<vmem>>, vector<1x16xi32>,
        %get3A_457 = vector.shape_cast %get3A_456 : vector<1x16xi32> to vector<16xi32>
        %mul3A_458 = arith.constant 9 : i32
        %mul3A_459 = vector.broadcast %mul3A_458 : i32 to vector<16xi32>
        %mul3A_460 = arith.muli %get3A_457, %mul3A_459 : vector<16xi32>
        %add3A_461 = arith.constant 3 : i32
        %add3A_462 = vector.broadcast %add3A_461 : i32 to vector<16xi32>
        %add3A_463 = arith.addi %mul3A_460, %add3A_462 : vector<16xi32>
        %swap3A_464 = arith.constant 3 : i32
        %swap3A_465 = arith.index_cast %swap3A_464 : i32 to index
        %swap3A_466 = arith.constant 32 : index
        %swap3A_467 = tpu.vector_load %arg6[%swap3A_465, %swap3A_466] {strides = array<i32>} : memref<9x128xi32, #tpu.memory_space<vmem>>, vector<1x16xi32>,
        %swap3A_468 = vector.shape_cast %swap3A_467 : vector<1x16xi32> to vector<16xi32>
        %swap3A_469 = vector.shape_cast %add3A_463 : vector<16xi32> to vector<1x16xi32>
        tpu.vector_store %arg6[%swap3A_465, %swap3A_466], %swap3A_469 {strides = array<i32>} : memref<9x128xi32, #tpu.memory_space<vmem>>, vector<1x16xi32>,
        %get3A_470 = arith.constant 3 : i32
        %get3A_471 = arith.index_cast %get3A_470 : i32 to index
        %get3A_472 = arith.constant 48 : index
        %get3A_473 = tpu.vector_load %arg5[%get3A_471, %get3A_472] {strides = array<i32>} : memref<9x128xi32, #tpu.memory_space<vmem>>, vector<1x16xi32>,
        %get3A_474 = vector.shape_cast %get3A_473 : vector<1x16xi32> to vector<16xi32>
        %mul3A_475 = arith.constant 9 : i32
        %mul3A_476 = vector.broadcast %mul3A_475 : i32 to vector<16xi32>
        %mul3A_477 = arith.muli %get3A_474, %mul3A_476 : vector<16xi32>
        %add3A_478 = arith.constant 3 : i32
        %add3A_479 = vector.broadcast %add3A_478 : i32 to vector<16xi32>
        %add3A_480 = arith.addi %mul3A_477, %add3A_479 : vector<16xi32>
        %swap3A_481 = arith.constant 3 : i32
        %swap3A_482 = arith.index_cast %swap3A_481 : i32 to index
        %swap3A_483 = arith.constant 48 : index
        %swap3A_484 = tpu.vector_load %arg6[%swap3A_482, %swap3A_483] {strides = array<i32>} : memref<9x128xi32, #tpu.memory_space<vmem>>, vector<1x16xi32>,
        %swap3A_485 = vector.shape_cast %swap3A_484 : vector<1x16xi32> to vector<16xi32>
        %swap3A_486 = vector.shape_cast %add3A_480 : vector<16xi32> to vector<1x16xi32>
        tpu.vector_store %arg6[%swap3A_482, %swap3A_483], %swap3A_486 {strides = array<i32>} : memref<9x128xi32, #tpu.memory_space<vmem>>, vector<1x16xi32>,
        %get3A_487 = arith.constant 3 : i32
        %get3A_488 = arith.index_cast %get3A_487 : i32 to index
        %get3A_489 = arith.constant 64 : index
        %get3A_490 = tpu.vector_load %arg5[%get3A_488, %get3A_489] {strides = array<i32>} : memref<9x128xi32, #tpu.memory_space<vmem>>, vector<1x16xi32>,
        %get3A_491 = vector.shape_cast %get3A_490 : vector<1x16xi32> to vector<16xi32>
        %mul3A_492 = arith.constant 9 : i32
        %mul3A_493 = vector.broadcast %mul3A_492 : i32 to vector<16xi32>
        %mul3A_494 = arith.muli %get3A_491, %mul3A_493 : vector<16xi32>
        %add3A_495 = arith.constant 3 : i32
        %add3A_496 = vector.broadcast %add3A_495 : i32 to vector<16xi32>
        %add3A_497 = arith.addi %mul3A_494, %add3A_496 : vector<16xi32>
        %swap3A_498 = arith.constant 3 : i32
        %swap3A_499 = arith.index_cast %swap3A_498 : i32 to index
        %swap3A_500 = arith.constant 64 : index
        %swap3A_501 = tpu.vector_load %arg6[%swap3A_499, %swap3A_500] {strides = array<i32>} : memref<9x128xi32, #tpu.memory_space<vmem>>, vector<1x16xi32>,
        %swap3A_502 = vector.shape_cast %swap3A_501 : vector<1x16xi32> to vector<16xi32>
        %swap3A_503 = vector.shape_cast %add3A_497 : vector<16xi32> to vector<1x16xi32>
        tpu.vector_store %arg6[%swap3A_499, %swap3A_500], %swap3A_503 {strides = array<i32>} : memref<9x128xi32, #tpu.memory_space<vmem>>, vector<1x16xi32>,
        %get3A_504 = arith.constant 3 : i32
        %get3A_505 = arith.index_cast %get3A_504 : i32 to index
        %get3A_506 = arith.constant 80 : index
        %get3A_507 = tpu.vector_load %arg5[%get3A_505, %get3A_506] {strides = array<i32>} : memref<9x128xi32, #tpu.memory_space<vmem>>, vector<1x16xi32>,
        %get3A_508 = vector.shape_cast %get3A_507 : vector<1x16xi32> to vector<16xi32>
        %mul3A_509 = arith.constant 9 : i32
        %mul3A_510 = vector.broadcast %mul3A_509 : i32 to vector<16xi32>
        %mul3A_511 = arith.muli %get3A_508, %mul3A_510 : vector<16xi32>
        %add3A_512 = arith.constant 3 : i32
        %add3A_513 = vector.broadcast %add3A_512 : i32 to vector<16xi32>
        %add3A_514 = arith.addi %mul3A_511, %add3A_513 : vector<16xi32>
        %swap3A_515 = arith.constant 3 : i32
        %swap3A_516 = arith.index_cast %swap3A_515 : i32 to index
        %swap3A_517 = arith.constant 80 : index
        %swap3A_518 = tpu.vector_load %arg6[%swap3A_516, %swap3A_517] {strides = array<i32>} : memref<9x128xi32, #tpu.memory_space<vmem>>, vector<1x16xi32>,
        %swap3A_519 = vector.shape_cast %swap3A_518 : vector<1x16xi32> to vector<16xi32>
        %swap3A_520 = vector.shape_cast %add3A_514 : vector<16xi32> to vector<1x16xi32>
        tpu.vector_store %arg6[%swap3A_516, %swap3A_517], %swap3A_520 {strides = array<i32>} : memref<9x128xi32, #tpu.memory_space<vmem>>, vector<1x16xi32>,
        %get3A_521 = arith.constant 3 : i32
        %get3A_522 = arith.index_cast %get3A_521 : i32 to index
        %get3A_523 = arith.constant 96 : index
        %get3A_524 = tpu.vector_load %arg5[%get3A_522, %get3A_523] {strides = array<i32>} : memref<9x128xi32, #tpu.memory_space<vmem>>, vector<1x16xi32>,
        %get3A_525 = vector.shape_cast %get3A_524 : vector<1x16xi32> to vector<16xi32>
        %mul3A_526 = arith.constant 9 : i32
        %mul3A_527 = vector.broadcast %mul3A_526 : i32 to vector<16xi32>
        %mul3A_528 = arith.muli %get3A_525, %mul3A_527 : vector<16xi32>
        %add3A_529 = arith.constant 3 : i32
        %add3A_530 = vector.broadcast %add3A_529 : i32 to vector<16xi32>
        %add3A_531 = arith.addi %mul3A_528, %add3A_530 : vector<16xi32>
        %swap3A_532 = arith.constant 3 : i32
        %swap3A_533 = arith.index_cast %swap3A_532 : i32 to index
        %swap3A_534 = arith.constant 96 : index
        %swap3A_535 = tpu.vector_load %arg6[%swap3A_533, %swap3A_534] {strides = array<i32>} : memref<9x128xi32, #tpu.memory_space<vmem>>, vector<1x16xi32>,
        %swap3A_536 = vector.shape_cast %swap3A_535 : vector<1x16xi32> to vector<16xi32>
        %swap3A_537 = vector.shape_cast %add3A_531 : vector<16xi32> to vector<1x16xi32>
        tpu.vector_store %arg6[%swap3A_533, %swap3A_534], %swap3A_537 {strides = array<i32>} : memref<9x128xi32, #tpu.memory_space<vmem>>, vector<1x16xi32>,
        %get3A_538 = arith.constant 3 : i32
        %get3A_539 = arith.index_cast %get3A_538 : i32 to index
        %get3A_540 = arith.constant 112 : index
        %get3A_541 = tpu.vector_load %arg5[%get3A_539, %get3A_540] {strides = array<i32>} : memref<9x128xi32, #tpu.memory_space<vmem>>, vector<1x16xi32>,
        %get3A_542 = vector.shape_cast %get3A_541 : vector<1x16xi32> to vector<16xi32>
        %mul3A_543 = arith.constant 9 : i32
        %mul3A_544 = vector.broadcast %mul3A_543 : i32 to vector<16xi32>
        %mul3A_545 = arith.muli %get3A_542, %mul3A_544 : vector<16xi32>
        %add3A_546 = arith.constant 3 : i32
        %add3A_547 = vector.broadcast %add3A_546 : i32 to vector<16xi32>
        %add3A_548 = arith.addi %mul3A_545, %add3A_547 : vector<16xi32>
        %swap3A_549 = arith.constant 3 : i32
        %swap3A_550 = arith.index_cast %swap3A_549 : i32 to index
        %swap3A_551 = arith.constant 112 : index
        %swap3A_552 = tpu.vector_load %arg6[%swap3A_550, %swap3A_551] {strides = array<i32>} : memref<9x128xi32, #tpu.memory_space<vmem>>, vector<1x16xi32>,
        %swap3A_553 = vector.shape_cast %swap3A_552 : vector<1x16xi32> to vector<16xi32>
        %swap3A_554 = vector.shape_cast %add3A_548 : vector<16xi32> to vector<1x16xi32>
        tpu.vector_store %arg6[%swap3A_550, %swap3A_551], %swap3A_554 {strides = array<i32>} : memref<9x128xi32, #tpu.memory_space<vmem>>, vector<1x16xi32>,
        %get3A_555 = arith.constant 4 : i32
        %get3A_556 = arith.index_cast %get3A_555 : i32 to index
        %get3A_557 = arith.constant 0 : index
        %get3A_558 = tpu.vector_load %arg5[%get3A_556, %get3A_557] {strides = array<i32>} : memref<9x128xi32, #tpu.memory_space<vmem>>, vector<1x16xi32>,
        %get3A_559 = vector.shape_cast %get3A_558 : vector<1x16xi32> to vector<16xi32>
        %mul3A_560 = arith.constant 9 : i32
        %mul3A_561 = vector.broadcast %mul3A_560 : i32 to vector<16xi32>
        %mul3A_562 = arith.muli %get3A_559, %mul3A_561 : vector<16xi32>
        %add3A_563 = arith.constant 4 : i32
        %add3A_564 = vector.broadcast %add3A_563 : i32 to vector<16xi32>
        %add3A_565 = arith.addi %mul3A_562, %add3A_564 : vector<16xi32>
        %swap3A_566 = arith.constant 4 : i32
        %swap3A_567 = arith.index_cast %swap3A_566 : i32 to index
        %swap3A_568 = arith.constant 0 : index
        %swap3A_569 = tpu.vector_load %arg6[%swap3A_567, %swap3A_568] {strides = array<i32>} : memref<9x128xi32, #tpu.memory_space<vmem>>, vector<1x16xi32>,
        %swap3A_570 = vector.shape_cast %swap3A_569 : vector<1x16xi32> to vector<16xi32>
        %swap3A_571 = vector.shape_cast %add3A_565 : vector<16xi32> to vector<1x16xi32>
        tpu.vector_store %arg6[%swap3A_567, %swap3A_568], %swap3A_571 {strides = array<i32>} : memref<9x128xi32, #tpu.memory_space<vmem>>, vector<1x16xi32>,
        %get3A_572 = arith.constant 4 : i32
        %get3A_573 = arith.index_cast %get3A_572 : i32 to index
        %get3A_574 = arith.constant 16 : index
        %get3A_575 = tpu.vector_load %arg5[%get3A_573, %get3A_574] {strides = array<i32>} : memref<9x128xi32, #tpu.memory_space<vmem>>, vector<1x16xi32>,
        %get3A_576 = vector.shape_cast %get3A_575 : vector<1x16xi32> to vector<16xi32>
        %mul3A_577 = arith.constant 9 : i32
        %mul3A_578 = vector.broadcast %mul3A_577 : i32 to vector<16xi32>
        %mul3A_579 = arith.muli %get3A_576, %mul3A_578 : vector<16xi32>
        %add3A_580 = arith.constant 4 : i32
        %add3A_581 = vector.broadcast %add3A_580 : i32 to vector<16xi32>
        %add3A_582 = arith.addi %mul3A_579, %add3A_581 : vector<16xi32>
        %swap3A_583 = arith.constant 4 : i32
        %swap3A_584 = arith.index_cast %swap3A_583 : i32 to index
        %swap3A_585 = arith.constant 16 : index
        %swap3A_586 = tpu.vector_load %arg6[%swap3A_584, %swap3A_585] {strides = array<i32>} : memref<9x128xi32, #tpu.memory_space<vmem>>, vector<1x16xi32>,
        %swap3A_587 = vector.shape_cast %swap3A_586 : vector<1x16xi32> to vector<16xi32>
        %swap3A_588 = vector.shape_cast %add3A_582 : vector<16xi32> to vector<1x16xi32>
        tpu.vector_store %arg6[%swap3A_584, %swap3A_585], %swap3A_588 {strides = array<i32>} : memref<9x128xi32, #tpu.memory_space<vmem>>, vector<1x16xi32>,
        %get3A_589 = arith.constant 4 : i32
        %get3A_590 = arith.index_cast %get3A_589 : i32 to index
        %get3A_591 = arith.constant 32 : index
        %get3A_592 = tpu.vector_load %arg5[%get3A_590, %get3A_591] {strides = array<i32>} : memref<9x128xi32, #tpu.memory_space<vmem>>, vector<1x16xi32>,
        %get3A_593 = vector.shape_cast %get3A_592 : vector<1x16xi32> to vector<16xi32>
        %mul3A_594 = arith.constant 9 : i32
        %mul3A_595 = vector.broadcast %mul3A_594 : i32 to vector<16xi32>
        %mul3A_596 = arith.muli %get3A_593, %mul3A_595 : vector<16xi32>
        %add3A_597 = arith.constant 4 : i32
        %add3A_598 = vector.broadcast %add3A_597 : i32 to vector<16xi32>
        %add3A_599 = arith.addi %mul3A_596, %add3A_598 : vector<16xi32>
        %swap3A_600 = arith.constant 4 : i32
        %swap3A_601 = arith.index_cast %swap3A_600 : i32 to index
        %swap3A_602 = arith.constant 32 : index
        %swap3A_603 = tpu.vector_load %arg6[%swap3A_601, %swap3A_602] {strides = array<i32>} : memref<9x128xi32, #tpu.memory_space<vmem>>, vector<1x16xi32>,
        %swap3A_604 = vector.shape_cast %swap3A_603 : vector<1x16xi32> to vector<16xi32>
        %swap3A_605 = vector.shape_cast %add3A_599 : vector<16xi32> to vector<1x16xi32>
        tpu.vector_store %arg6[%swap3A_601, %swap3A_602], %swap3A_605 {strides = array<i32>} : memref<9x128xi32, #tpu.memory_space<vmem>>, vector<1x16xi32>,
        %get3A_606 = arith.constant 4 : i32
        %get3A_607 = arith.index_cast %get3A_606 : i32 to index
        %get3A_608 = arith.constant 48 : index
        %get3A_609 = tpu.vector_load %arg5[%get3A_607, %get3A_608] {strides = array<i32>} : memref<9x128xi32, #tpu.memory_space<vmem>>, vector<1x16xi32>,
        %get3A_610 = vector.shape_cast %get3A_609 : vector<1x16xi32> to vector<16xi32>
        %mul3A_611 = arith.constant 9 : i32
        %mul3A_612 = vector.broadcast %mul3A_611 : i32 to vector<16xi32>
        %mul3A_613 = arith.muli %get3A_610, %mul3A_612 : vector<16xi32>
        %add3A_614 = arith.constant 4 : i32
        %add3A_615 = vector.broadcast %add3A_614 : i32 to vector<16xi32>
        %add3A_616 = arith.addi %mul3A_613, %add3A_615 : vector<16xi32>
        %swap3A_617 = arith.constant 4 : i32
        %swap3A_618 = arith.index_cast %swap3A_617 : i32 to index
        %swap3A_619 = arith.constant 48 : index
        %swap3A_620 = tpu.vector_load %arg6[%swap3A_618, %swap3A_619] {strides = array<i32>} : memref<9x128xi32, #tpu.memory_space<vmem>>, vector<1x16xi32>,
        %swap3A_621 = vector.shape_cast %swap3A_620 : vector<1x16xi32> to vector<16xi32>
        %swap3A_622 = vector.shape_cast %add3A_616 : vector<16xi32> to vector<1x16xi32>
        tpu.vector_store %arg6[%swap3A_618, %swap3A_619], %swap3A_622 {strides = array<i32>} : memref<9x128xi32, #tpu.memory_space<vmem>>, vector<1x16xi32>,
        %get3A_623 = arith.constant 4 : i32
        %get3A_624 = arith.index_cast %get3A_623 : i32 to index
        %get3A_625 = arith.constant 64 : index
        %get3A_626 = tpu.vector_load %arg5[%get3A_624, %get3A_625] {strides = array<i32>} : memref<9x128xi32, #tpu.memory_space<vmem>>, vector<1x16xi32>,
        %get3A_627 = vector.shape_cast %get3A_626 : vector<1x16xi32> to vector<16xi32>
        %mul3A_628 = arith.constant 9 : i32
        %mul3A_629 = vector.broadcast %mul3A_628 : i32 to vector<16xi32>
        %mul3A_630 = arith.muli %get3A_627, %mul3A_629 : vector<16xi32>
        %add3A_631 = arith.constant 4 : i32
        %add3A_632 = vector.broadcast %add3A_631 : i32 to vector<16xi32>
        %add3A_633 = arith.addi %mul3A_630, %add3A_632 : vector<16xi32>
        %swap3A_634 = arith.constant 4 : i32
        %swap3A_635 = arith.index_cast %swap3A_634 : i32 to index
        %swap3A_636 = arith.constant 64 : index
        %swap3A_637 = tpu.vector_load %arg6[%swap3A_635, %swap3A_636] {strides = array<i32>} : memref<9x128xi32, #tpu.memory_space<vmem>>, vector<1x16xi32>,
        %swap3A_638 = vector.shape_cast %swap3A_637 : vector<1x16xi32> to vector<16xi32>
        %swap3A_639 = vector.shape_cast %add3A_633 : vector<16xi32> to vector<1x16xi32>
        tpu.vector_store %arg6[%swap3A_635, %swap3A_636], %swap3A_639 {strides = array<i32>} : memref<9x128xi32, #tpu.memory_space<vmem>>, vector<1x16xi32>,
        %get3A_640 = arith.constant 4 : i32
        %get3A_641 = arith.index_cast %get3A_640 : i32 to index
        %get3A_642 = arith.constant 80 : index
        %get3A_643 = tpu.vector_load %arg5[%get3A_641, %get3A_642] {strides = array<i32>} : memref<9x128xi32, #tpu.memory_space<vmem>>, vector<1x16xi32>,
        %get3A_644 = vector.shape_cast %get3A_643 : vector<1x16xi32> to vector<16xi32>
        %mul3A_645 = arith.constant 9 : i32
        %mul3A_646 = vector.broadcast %mul3A_645 : i32 to vector<16xi32>
        %mul3A_647 = arith.muli %get3A_644, %mul3A_646 : vector<16xi32>
        %add3A_648 = arith.constant 4 : i32
        %add3A_649 = vector.broadcast %add3A_648 : i32 to vector<16xi32>
        %add3A_650 = arith.addi %mul3A_647, %add3A_649 : vector<16xi32>
        %swap3A_651 = arith.constant 4 : i32
        %swap3A_652 = arith.index_cast %swap3A_651 : i32 to index
        %swap3A_653 = arith.constant 80 : index
        %swap3A_654 = tpu.vector_load %arg6[%swap3A_652, %swap3A_653] {strides = array<i32>} : memref<9x128xi32, #tpu.memory_space<vmem>>, vector<1x16xi32>,
        %swap3A_655 = vector.shape_cast %swap3A_654 : vector<1x16xi32> to vector<16xi32>
        %swap3A_656 = vector.shape_cast %add3A_650 : vector<16xi32> to vector<1x16xi32>
        tpu.vector_store %arg6[%swap3A_652, %swap3A_653], %swap3A_656 {strides = array<i32>} : memref<9x128xi32, #tpu.memory_space<vmem>>, vector<1x16xi32>,
        %get3A_657 = arith.constant 4 : i32
        %get3A_658 = arith.index_cast %get3A_657 : i32 to index
        %get3A_659 = arith.constant 96 : index
        %get3A_660 = tpu.vector_load %arg5[%get3A_658, %get3A_659] {strides = array<i32>} : memref<9x128xi32, #tpu.memory_space<vmem>>, vector<1x16xi32>,
        %get3A_661 = vector.shape_cast %get3A_660 : vector<1x16xi32> to vector<16xi32>
        %mul3A_662 = arith.constant 9 : i32
        %mul3A_663 = vector.broadcast %mul3A_662 : i32 to vector<16xi32>
        %mul3A_664 = arith.muli %get3A_661, %mul3A_663 : vector<16xi32>
        %add3A_665 = arith.constant 4 : i32
        %add3A_666 = vector.broadcast %add3A_665 : i32 to vector<16xi32>
        %add3A_667 = arith.addi %mul3A_664, %add3A_666 : vector<16xi32>
        %swap3A_668 = arith.constant 4 : i32
        %swap3A_669 = arith.index_cast %swap3A_668 : i32 to index
        %swap3A_670 = arith.constant 96 : index
        %swap3A_671 = tpu.vector_load %arg6[%swap3A_669, %swap3A_670] {strides = array<i32>} : memref<9x128xi32, #tpu.memory_space<vmem>>, vector<1x16xi32>,
        %swap3A_672 = vector.shape_cast %swap3A_671 : vector<1x16xi32> to vector<16xi32>
        %swap3A_673 = vector.shape_cast %add3A_667 : vector<16xi32> to vector<1x16xi32>
        tpu.vector_store %arg6[%swap3A_669, %swap3A_670], %swap3A_673 {strides = array<i32>} : memref<9x128xi32, #tpu.memory_space<vmem>>, vector<1x16xi32>,
        %get3A_674 = arith.constant 4 : i32
        %get3A_675 = arith.index_cast %get3A_674 : i32 to index
        %get3A_676 = arith.constant 112 : index
        %get3A_677 = tpu.vector_load %arg5[%get3A_675, %get3A_676] {strides = array<i32>} : memref<9x128xi32, #tpu.memory_space<vmem>>, vector<1x16xi32>,
        %get3A_678 = vector.shape_cast %get3A_677 : vector<1x16xi32> to vector<16xi32>
        %mul3A_679 = arith.constant 9 : i32
        %mul3A_680 = vector.broadcast %mul3A_679 : i32 to vector<16xi32>
        %mul3A_681 = arith.muli %get3A_678, %mul3A_680 : vector<16xi32>
        %add3A_682 = arith.constant 4 : i32
        %add3A_683 = vector.broadcast %add3A_682 : i32 to vector<16xi32>
        %add3A_684 = arith.addi %mul3A_681, %add3A_683 : vector<16xi32>
        %swap3A_685 = arith.constant 4 : i32
        %swap3A_686 = arith.index_cast %swap3A_685 : i32 to index
        %swap3A_687 = arith.constant 112 : index
        %swap3A_688 = tpu.vector_load %arg6[%swap3A_686, %swap3A_687] {strides = array<i32>} : memref<9x128xi32, #tpu.memory_space<vmem>>, vector<1x16xi32>,
        %swap3A_689 = vector.shape_cast %swap3A_688 : vector<1x16xi32> to vector<16xi32>
        %swap3A_690 = vector.shape_cast %add3A_684 : vector<16xi32> to vector<1x16xi32>
        tpu.vector_store %arg6[%swap3A_686, %swap3A_687], %swap3A_690 {strides = array<i32>} : memref<9x128xi32, #tpu.memory_space<vmem>>, vector<1x16xi32>,
        %get3A_691 = arith.constant 5 : i32
        %get3A_692 = arith.index_cast %get3A_691 : i32 to index
        %get3A_693 = arith.constant 0 : index
        %get3A_694 = tpu.vector_load %arg5[%get3A_692, %get3A_693] {strides = array<i32>} : memref<9x128xi32, #tpu.memory_space<vmem>>, vector<1x16xi32>,
        %get3A_695 = vector.shape_cast %get3A_694 : vector<1x16xi32> to vector<16xi32>
        %mul3A_696 = arith.constant 9 : i32
        %mul3A_697 = vector.broadcast %mul3A_696 : i32 to vector<16xi32>
        %mul3A_698 = arith.muli %get3A_695, %mul3A_697 : vector<16xi32>
        %add3A_699 = arith.constant 5 : i32
        %add3A_700 = vector.broadcast %add3A_699 : i32 to vector<16xi32>
        %add3A_701 = arith.addi %mul3A_698, %add3A_700 : vector<16xi32>
        %swap3A_702 = arith.constant 5 : i32
        %swap3A_703 = arith.index_cast %swap3A_702 : i32 to index
        %swap3A_704 = arith.constant 0 : index
        %swap3A_705 = tpu.vector_load %arg6[%swap3A_703, %swap3A_704] {strides = array<i32>} : memref<9x128xi32, #tpu.memory_space<vmem>>, vector<1x16xi32>,
        %swap3A_706 = vector.shape_cast %swap3A_705 : vector<1x16xi32> to vector<16xi32>
        %swap3A_707 = vector.shape_cast %add3A_701 : vector<16xi32> to vector<1x16xi32>
        tpu.vector_store %arg6[%swap3A_703, %swap3A_704], %swap3A_707 {strides = array<i32>} : memref<9x128xi32, #tpu.memory_space<vmem>>, vector<1x16xi32>,
        %get3A_708 = arith.constant 5 : i32
        %get3A_709 = arith.index_cast %get3A_708 : i32 to index
        %get3A_710 = arith.constant 16 : index
        %get3A_711 = tpu.vector_load %arg5[%get3A_709, %get3A_710] {strides = array<i32>} : memref<9x128xi32, #tpu.memory_space<vmem>>, vector<1x16xi32>,
        %get3A_712 = vector.shape_cast %get3A_711 : vector<1x16xi32> to vector<16xi32>
        %mul3A_713 = arith.constant 9 : i32
        %mul3A_714 = vector.broadcast %mul3A_713 : i32 to vector<16xi32>
        %mul3A_715 = arith.muli %get3A_712, %mul3A_714 : vector<16xi32>
        %add3A_716 = arith.constant 5 : i32
        %add3A_717 = vector.broadcast %add3A_716 : i32 to vector<16xi32>
        %add3A_718 = arith.addi %mul3A_715, %add3A_717 : vector<16xi32>
        %swap3A_719 = arith.constant 5 : i32
        %swap3A_720 = arith.index_cast %swap3A_719 : i32 to index
        %swap3A_721 = arith.constant 16 : index
        %swap3A_722 = tpu.vector_load %arg6[%swap3A_720, %swap3A_721] {strides = array<i32>} : memref<9x128xi32, #tpu.memory_space<vmem>>, vector<1x16xi32>,
        %swap3A_723 = vector.shape_cast %swap3A_722 : vector<1x16xi32> to vector<16xi32>
        %swap3A_724 = vector.shape_cast %add3A_718 : vector<16xi32> to vector<1x16xi32>
        tpu.vector_store %arg6[%swap3A_720, %swap3A_721], %swap3A_724 {strides = array<i32>} : memref<9x128xi32, #tpu.memory_space<vmem>>, vector<1x16xi32>,
        %get3A_725 = arith.constant 5 : i32
        %get3A_726 = arith.index_cast %get3A_725 : i32 to index
        %get3A_727 = arith.constant 32 : index
        %get3A_728 = tpu.vector_load %arg5[%get3A_726, %get3A_727] {strides = array<i32>} : memref<9x128xi32, #tpu.memory_space<vmem>>, vector<1x16xi32>,
        %get3A_729 = vector.shape_cast %get3A_728 : vector<1x16xi32> to vector<16xi32>
        %mul3A_730 = arith.constant 9 : i32
        %mul3A_731 = vector.broadcast %mul3A_730 : i32 to vector<16xi32>
        %mul3A_732 = arith.muli %get3A_729, %mul3A_731 : vector<16xi32>
        %add3A_733 = arith.constant 5 : i32
        %add3A_734 = vector.broadcast %add3A_733 : i32 to vector<16xi32>
        %add3A_735 = arith.addi %mul3A_732, %add3A_734 : vector<16xi32>
        %swap3A_736 = arith.constant 5 : i32
        %swap3A_737 = arith.index_cast %swap3A_736 : i32 to index
        %swap3A_738 = arith.constant 32 : index
        %swap3A_739 = tpu.vector_load %arg6[%swap3A_737, %swap3A_738] {strides = array<i32>} : memref<9x128xi32, #tpu.memory_space<vmem>>, vector<1x16xi32>,
        %swap3A_740 = vector.shape_cast %swap3A_739 : vector<1x16xi32> to vector<16xi32>
        %swap3A_741 = vector.shape_cast %add3A_735 : vector<16xi32> to vector<1x16xi32>
        tpu.vector_store %arg6[%swap3A_737, %swap3A_738], %swap3A_741 {strides = array<i32>} : memref<9x128xi32, #tpu.memory_space<vmem>>, vector<1x16xi32>,
        %get3A_742 = arith.constant 5 : i32
        %get3A_743 = arith.index_cast %get3A_742 : i32 to index
        %get3A_744 = arith.constant 48 : index
        %get3A_745 = tpu.vector_load %arg5[%get3A_743, %get3A_744] {strides = array<i32>} : memref<9x128xi32, #tpu.memory_space<vmem>>, vector<1x16xi32>,
        %get3A_746 = vector.shape_cast %get3A_745 : vector<1x16xi32> to vector<16xi32>
        %mul3A_747 = arith.constant 9 : i32
        %mul3A_748 = vector.broadcast %mul3A_747 : i32 to vector<16xi32>
        %mul3A_749 = arith.muli %get3A_746, %mul3A_748 : vector<16xi32>
        %add3A_750 = arith.constant 5 : i32
        %add3A_751 = vector.broadcast %add3A_750 : i32 to vector<16xi32>
        %add3A_752 = arith.addi %mul3A_749, %add3A_751 : vector<16xi32>
        %swap3A_753 = arith.constant 5 : i32
        %swap3A_754 = arith.index_cast %swap3A_753 : i32 to index
        %swap3A_755 = arith.constant 48 : index
        %swap3A_756 = tpu.vector_load %arg6[%swap3A_754, %swap3A_755] {strides = array<i32>} : memref<9x128xi32, #tpu.memory_space<vmem>>, vector<1x16xi32>,
        %swap3A_757 = vector.shape_cast %swap3A_756 : vector<1x16xi32> to vector<16xi32>
        %swap3A_758 = vector.shape_cast %add3A_752 : vector<16xi32> to vector<1x16xi32>
        tpu.vector_store %arg6[%swap3A_754, %swap3A_755], %swap3A_758 {strides = array<i32>} : memref<9x128xi32, #tpu.memory_space<vmem>>, vector<1x16xi32>,
        %get3A_759 = arith.constant 5 : i32
        %get3A_760 = arith.index_cast %get3A_759 : i32 to index
        %get3A_761 = arith.constant 64 : index
        %get3A_762 = tpu.vector_load %arg5[%get3A_760, %get3A_761] {strides = array<i32>} : memref<9x128xi32, #tpu.memory_space<vmem>>, vector<1x16xi32>,
        %get3A_763 = vector.shape_cast %get3A_762 : vector<1x16xi32> to vector<16xi32>
        %mul3A_764 = arith.constant 9 : i32
        %mul3A_765 = vector.broadcast %mul3A_764 : i32 to vector<16xi32>
        %mul3A_766 = arith.muli %get3A_763, %mul3A_765 : vector<16xi32>
        %add3A_767 = arith.constant 5 : i32
        %add3A_768 = vector.broadcast %add3A_767 : i32 to vector<16xi32>
        %add3A_769 = arith.addi %mul3A_766, %add3A_768 : vector<16xi32>
        %swap3A_770 = arith.constant 5 : i32
        %swap3A_771 = arith.index_cast %swap3A_770 : i32 to index
        %swap3A_772 = arith.constant 64 : index
        %swap3A_773 = tpu.vector_load %arg6[%swap3A_771, %swap3A_772] {strides = array<i32>} : memref<9x128xi32, #tpu.memory_space<vmem>>, vector<1x16xi32>,
        %swap3A_774 = vector.shape_cast %swap3A_773 : vector<1x16xi32> to vector<16xi32>
        %swap3A_775 = vector.shape_cast %add3A_769 : vector<16xi32> to vector<1x16xi32>
        tpu.vector_store %arg6[%swap3A_771, %swap3A_772], %swap3A_775 {strides = array<i32>} : memref<9x128xi32, #tpu.memory_space<vmem>>, vector<1x16xi32>,
        %get3A_776 = arith.constant 5 : i32
        %get3A_777 = arith.index_cast %get3A_776 : i32 to index
        %get3A_778 = arith.constant 80 : index
        %get3A_779 = tpu.vector_load %arg5[%get3A_777, %get3A_778] {strides = array<i32>} : memref<9x128xi32, #tpu.memory_space<vmem>>, vector<1x16xi32>,
        %get3A_780 = vector.shape_cast %get3A_779 : vector<1x16xi32> to vector<16xi32>
        %mul3A_781 = arith.constant 9 : i32
        %mul3A_782 = vector.broadcast %mul3A_781 : i32 to vector<16xi32>
        %mul3A_783 = arith.muli %get3A_780, %mul3A_782 : vector<16xi32>
        %add3A_784 = arith.constant 5 : i32
        %add3A_785 = vector.broadcast %add3A_784 : i32 to vector<16xi32>
        %add3A_786 = arith.addi %mul3A_783, %add3A_785 : vector<16xi32>
        %swap3A_787 = arith.constant 5 : i32
        %swap3A_788 = arith.index_cast %swap3A_787 : i32 to index
        %swap3A_789 = arith.constant 80 : index
        %swap3A_790 = tpu.vector_load %arg6[%swap3A_788, %swap3A_789] {strides = array<i32>} : memref<9x128xi32, #tpu.memory_space<vmem>>, vector<1x16xi32>,
        %swap3A_791 = vector.shape_cast %swap3A_790 : vector<1x16xi32> to vector<16xi32>
        %swap3A_792 = vector.shape_cast %add3A_786 : vector<16xi32> to vector<1x16xi32>
        tpu.vector_store %arg6[%swap3A_788, %swap3A_789], %swap3A_792 {strides = array<i32>} : memref<9x128xi32, #tpu.memory_space<vmem>>, vector<1x16xi32>,
        %get3A_793 = arith.constant 5 : i32
        %get3A_794 = arith.index_cast %get3A_793 : i32 to index
        %get3A_795 = arith.constant 96 : index
        %get3A_796 = tpu.vector_load %arg5[%get3A_794, %get3A_795] {strides = array<i32>} : memref<9x128xi32, #tpu.memory_space<vmem>>, vector<1x16xi32>,
        %get3A_797 = vector.shape_cast %get3A_796 : vector<1x16xi32> to vector<16xi32>
        %mul3A_798 = arith.constant 9 : i32
        %mul3A_799 = vector.broadcast %mul3A_798 : i32 to vector<16xi32>
        %mul3A_800 = arith.muli %get3A_797, %mul3A_799 : vector<16xi32>
        %add3A_801 = arith.constant 5 : i32
        %add3A_802 = vector.broadcast %add3A_801 : i32 to vector<16xi32>
        %add3A_803 = arith.addi %mul3A_800, %add3A_802 : vector<16xi32>
        %swap3A_804 = arith.constant 5 : i32
        %swap3A_805 = arith.index_cast %swap3A_804 : i32 to index
        %swap3A_806 = arith.constant 96 : index
        %swap3A_807 = tpu.vector_load %arg6[%swap3A_805, %swap3A_806] {strides = array<i32>} : memref<9x128xi32, #tpu.memory_space<vmem>>, vector<1x16xi32>,
        %swap3A_808 = vector.shape_cast %swap3A_807 : vector<1x16xi32> to vector<16xi32>
        %swap3A_809 = vector.shape_cast %add3A_803 : vector<16xi32> to vector<1x16xi32>
        tpu.vector_store %arg6[%swap3A_805, %swap3A_806], %swap3A_809 {strides = array<i32>} : memref<9x128xi32, #tpu.memory_space<vmem>>, vector<1x16xi32>,
        %get3A_810 = arith.constant 5 : i32
        %get3A_811 = arith.index_cast %get3A_810 : i32 to index
        %get3A_812 = arith.constant 112 : index
        %get3A_813 = tpu.vector_load %arg5[%get3A_811, %get3A_812] {strides = array<i32>} : memref<9x128xi32, #tpu.memory_space<vmem>>, vector<1x16xi32>,
        %get3A_814 = vector.shape_cast %get3A_813 : vector<1x16xi32> to vector<16xi32>
        %mul3A_815 = arith.constant 9 : i32
        %mul3A_816 = vector.broadcast %mul3A_815 : i32 to vector<16xi32>
        %mul3A_817 = arith.muli %get3A_814, %mul3A_816 : vector<16xi32>
        %add3A_818 = arith.constant 5 : i32
        %add3A_819 = vector.broadcast %add3A_818 : i32 to vector<16xi32>
        %add3A_820 = arith.addi %mul3A_817, %add3A_819 : vector<16xi32>
        %swap3A_821 = arith.constant 5 : i32
        %swap3A_822 = arith.index_cast %swap3A_821 : i32 to index
        %swap3A_823 = arith.constant 112 : index
        %swap3A_824 = tpu.vector_load %arg6[%swap3A_822, %swap3A_823] {strides = array<i32>} : memref<9x128xi32, #tpu.memory_space<vmem>>, vector<1x16xi32>,
        %swap3A_825 = vector.shape_cast %swap3A_824 : vector<1x16xi32> to vector<16xi32>
        %swap3A_826 = vector.shape_cast %add3A_820 : vector<16xi32> to vector<1x16xi32>
        tpu.vector_store %arg6[%swap3A_822, %swap3A_823], %swap3A_826 {strides = array<i32>} : memref<9x128xi32, #tpu.memory_space<vmem>>, vector<1x16xi32>,
        %get3A_827 = arith.constant 6 : i32
        %get3A_828 = arith.index_cast %get3A_827 : i32 to index
        %get3A_829 = arith.constant 0 : index
        %get3A_830 = tpu.vector_load %arg5[%get3A_828, %get3A_829] {strides = array<i32>} : memref<9x128xi32, #tpu.memory_space<vmem>>, vector<1x16xi32>,
        %get3A_831 = vector.shape_cast %get3A_830 : vector<1x16xi32> to vector<16xi32>
        %mul3A_832 = arith.constant 9 : i32
        %mul3A_833 = vector.broadcast %mul3A_832 : i32 to vector<16xi32>
        %mul3A_834 = arith.muli %get3A_831, %mul3A_833 : vector<16xi32>
        %add3A_835 = arith.constant 6 : i32
        %add3A_836 = vector.broadcast %add3A_835 : i32 to vector<16xi32>
        %add3A_837 = arith.addi %mul3A_834, %add3A_836 : vector<16xi32>
        %swap3A_838 = arith.constant 6 : i32
        %swap3A_839 = arith.index_cast %swap3A_838 : i32 to index
        %swap3A_840 = arith.constant 0 : index
        %swap3A_841 = tpu.vector_load %arg6[%swap3A_839, %swap3A_840] {strides = array<i32>} : memref<9x128xi32, #tpu.memory_space<vmem>>, vector<1x16xi32>,
        %swap3A_842 = vector.shape_cast %swap3A_841 : vector<1x16xi32> to vector<16xi32>
        %swap3A_843 = vector.shape_cast %add3A_837 : vector<16xi32> to vector<1x16xi32>
        tpu.vector_store %arg6[%swap3A_839, %swap3A_840], %swap3A_843 {strides = array<i32>} : memref<9x128xi32, #tpu.memory_space<vmem>>, vector<1x16xi32>,
        %get3A_844 = arith.constant 6 : i32
        %get3A_845 = arith.index_cast %get3A_844 : i32 to index
        %get3A_846 = arith.constant 16 : index
        %get3A_847 = tpu.vector_load %arg5[%get3A_845, %get3A_846] {strides = array<i32>} : memref<9x128xi32, #tpu.memory_space<vmem>>, vector<1x16xi32>,
        %get3A_848 = vector.shape_cast %get3A_847 : vector<1x16xi32> to vector<16xi32>
        %mul3A_849 = arith.constant 9 : i32
        %mul3A_850 = vector.broadcast %mul3A_849 : i32 to vector<16xi32>
        %mul3A_851 = arith.muli %get3A_848, %mul3A_850 : vector<16xi32>
        %add3A_852 = arith.constant 6 : i32
        %add3A_853 = vector.broadcast %add3A_852 : i32 to vector<16xi32>
        %add3A_854 = arith.addi %mul3A_851, %add3A_853 : vector<16xi32>
        %swap3A_855 = arith.constant 6 : i32
        %swap3A_856 = arith.index_cast %swap3A_855 : i32 to index
        %swap3A_857 = arith.constant 16 : index
        %swap3A_858 = tpu.vector_load %arg6[%swap3A_856, %swap3A_857] {strides = array<i32>} : memref<9x128xi32, #tpu.memory_space<vmem>>, vector<1x16xi32>,
        %swap3A_859 = vector.shape_cast %swap3A_858 : vector<1x16xi32> to vector<16xi32>
        %swap3A_860 = vector.shape_cast %add3A_854 : vector<16xi32> to vector<1x16xi32>
        tpu.vector_store %arg6[%swap3A_856, %swap3A_857], %swap3A_860 {strides = array<i32>} : memref<9x128xi32, #tpu.memory_space<vmem>>, vector<1x16xi32>,
        %get3A_861 = arith.constant 6 : i32
        %get3A_862 = arith.index_cast %get3A_861 : i32 to index
        %get3A_863 = arith.constant 32 : index
        %get3A_864 = tpu.vector_load %arg5[%get3A_862, %get3A_863] {strides = array<i32>} : memref<9x128xi32, #tpu.memory_space<vmem>>, vector<1x16xi32>,
        %get3A_865 = vector.shape_cast %get3A_864 : vector<1x16xi32> to vector<16xi32>
        %mul3A_866 = arith.constant 9 : i32
        %mul3A_867 = vector.broadcast %mul3A_866 : i32 to vector<16xi32>
        %mul3A_868 = arith.muli %get3A_865, %mul3A_867 : vector<16xi32>
        %add3A_869 = arith.constant 6 : i32
        %add3A_870 = vector.broadcast %add3A_869 : i32 to vector<16xi32>
        %add3A_871 = arith.addi %mul3A_868, %add3A_870 : vector<16xi32>
        %swap3A_872 = arith.constant 6 : i32
        %swap3A_873 = arith.index_cast %swap3A_872 : i32 to index
        %swap3A_874 = arith.constant 32 : index
        %swap3A_875 = tpu.vector_load %arg6[%swap3A_873, %swap3A_874] {strides = array<i32>} : memref<9x128xi32, #tpu.memory_space<vmem>>, vector<1x16xi32>,
        %swap3A_876 = vector.shape_cast %swap3A_875 : vector<1x16xi32> to vector<16xi32>
        %swap3A_877 = vector.shape_cast %add3A_871 : vector<16xi32> to vector<1x16xi32>
        tpu.vector_store %arg6[%swap3A_873, %swap3A_874], %swap3A_877 {strides = array<i32>} : memref<9x128xi32, #tpu.memory_space<vmem>>, vector<1x16xi32>,
        %get3A_878 = arith.constant 6 : i32
        %get3A_879 = arith.index_cast %get3A_878 : i32 to index
        %get3A_880 = arith.constant 48 : index
        %get3A_881 = tpu.vector_load %arg5[%get3A_879, %get3A_880] {strides = array<i32>} : memref<9x128xi32, #tpu.memory_space<vmem>>, vector<1x16xi32>,
        %get3A_882 = vector.shape_cast %get3A_881 : vector<1x16xi32> to vector<16xi32>
        %mul3A_883 = arith.constant 9 : i32
        %mul3A_884 = vector.broadcast %mul3A_883 : i32 to vector<16xi32>
        %mul3A_885 = arith.muli %get3A_882, %mul3A_884 : vector<16xi32>
        %add3A_886 = arith.constant 6 : i32
        %add3A_887 = vector.broadcast %add3A_886 : i32 to vector<16xi32>
        %add3A_888 = arith.addi %mul3A_885, %add3A_887 : vector<16xi32>
        %swap3A_889 = arith.constant 6 : i32
        %swap3A_890 = arith.index_cast %swap3A_889 : i32 to index
        %swap3A_891 = arith.constant 48 : index
        %swap3A_892 = tpu.vector_load %arg6[%swap3A_890, %swap3A_891] {strides = array<i32>} : memref<9x128xi32, #tpu.memory_space<vmem>>, vector<1x16xi32>,
        %swap3A_893 = vector.shape_cast %swap3A_892 : vector<1x16xi32> to vector<16xi32>
        %swap3A_894 = vector.shape_cast %add3A_888 : vector<16xi32> to vector<1x16xi32>
        tpu.vector_store %arg6[%swap3A_890, %swap3A_891], %swap3A_894 {strides = array<i32>} : memref<9x128xi32, #tpu.memory_space<vmem>>, vector<1x16xi32>,
        %get3A_895 = arith.constant 6 : i32
        %get3A_896 = arith.index_cast %get3A_895 : i32 to index
        %get3A_897 = arith.constant 64 : index
        %get3A_898 = tpu.vector_load %arg5[%get3A_896, %get3A_897] {strides = array<i32>} : memref<9x128xi32, #tpu.memory_space<vmem>>, vector<1x16xi32>,
        %get3A_899 = vector.shape_cast %get3A_898 : vector<1x16xi32> to vector<16xi32>
        %mul3A_900 = arith.constant 9 : i32
        %mul3A_901 = vector.broadcast %mul3A_900 : i32 to vector<16xi32>
        %mul3A_902 = arith.muli %get3A_899, %mul3A_901 : vector<16xi32>
        %add3A_903 = arith.constant 6 : i32
        %add3A_904 = vector.broadcast %add3A_903 : i32 to vector<16xi32>
        %add3A_905 = arith.addi %mul3A_902, %add3A_904 : vector<16xi32>
        %swap3A_906 = arith.constant 6 : i32
        %swap3A_907 = arith.index_cast %swap3A_906 : i32 to index
        %swap3A_908 = arith.constant 64 : index
        %swap3A_909 = tpu.vector_load %arg6[%swap3A_907, %swap3A_908] {strides = array<i32>} : memref<9x128xi32, #tpu.memory_space<vmem>>, vector<1x16xi32>,
        %swap3A_910 = vector.shape_cast %swap3A_909 : vector<1x16xi32> to vector<16xi32>
        %swap3A_911 = vector.shape_cast %add3A_905 : vector<16xi32> to vector<1x16xi32>
        tpu.vector_store %arg6[%swap3A_907, %swap3A_908], %swap3A_911 {strides = array<i32>} : memref<9x128xi32, #tpu.memory_space<vmem>>, vector<1x16xi32>,
        %get3A_912 = arith.constant 6 : i32
        %get3A_913 = arith.index_cast %get3A_912 : i32 to index
        %get3A_914 = arith.constant 80 : index
        %get3A_915 = tpu.vector_load %arg5[%get3A_913, %get3A_914] {strides = array<i32>} : memref<9x128xi32, #tpu.memory_space<vmem>>, vector<1x16xi32>,
        %get3A_916 = vector.shape_cast %get3A_915 : vector<1x16xi32> to vector<16xi32>
        %mul3A_917 = arith.constant 9 : i32
        %mul3A_918 = vector.broadcast %mul3A_917 : i32 to vector<16xi32>
        %mul3A_919 = arith.muli %get3A_916, %mul3A_918 : vector<16xi32>
        %add3A_920 = arith.constant 6 : i32
        %add3A_921 = vector.broadcast %add3A_920 : i32 to vector<16xi32>
        %add3A_922 = arith.addi %mul3A_919, %add3A_921 : vector<16xi32>
        %swap3A_923 = arith.constant 6 : i32
        %swap3A_924 = arith.index_cast %swap3A_923 : i32 to index
        %swap3A_925 = arith.constant 80 : index
        %swap3A_926 = tpu.vector_load %arg6[%swap3A_924, %swap3A_925] {strides = array<i32>} : memref<9x128xi32, #tpu.memory_space<vmem>>, vector<1x16xi32>,
        %swap3A_927 = vector.shape_cast %swap3A_926 : vector<1x16xi32> to vector<16xi32>
        %swap3A_928 = vector.shape_cast %add3A_922 : vector<16xi32> to vector<1x16xi32>
        tpu.vector_store %arg6[%swap3A_924, %swap3A_925], %swap3A_928 {strides = array<i32>} : memref<9x128xi32, #tpu.memory_space<vmem>>, vector<1x16xi32>,
        %get3A_929 = arith.constant 6 : i32
        %get3A_930 = arith.index_cast %get3A_929 : i32 to index
        %get3A_931 = arith.constant 96 : index
        %get3A_932 = tpu.vector_load %arg5[%get3A_930, %get3A_931] {strides = array<i32>} : memref<9x128xi32, #tpu.memory_space<vmem>>, vector<1x16xi32>,
        %get3A_933 = vector.shape_cast %get3A_932 : vector<1x16xi32> to vector<16xi32>
        %mul3A_934 = arith.constant 9 : i32
        %mul3A_935 = vector.broadcast %mul3A_934 : i32 to vector<16xi32>
        %mul3A_936 = arith.muli %get3A_933, %mul3A_935 : vector<16xi32>
        %add3A_937 = arith.constant 6 : i32
        %add3A_938 = vector.broadcast %add3A_937 : i32 to vector<16xi32>
        %add3A_939 = arith.addi %mul3A_936, %add3A_938 : vector<16xi32>
        %swap3A_940 = arith.constant 6 : i32
        %swap3A_941 = arith.index_cast %swap3A_940 : i32 to index
        %swap3A_942 = arith.constant 96 : index
        %swap3A_943 = tpu.vector_load %arg6[%swap3A_941, %swap3A_942] {strides = array<i32>} : memref<9x128xi32, #tpu.memory_space<vmem>>, vector<1x16xi32>,
        %swap3A_944 = vector.shape_cast %swap3A_943 : vector<1x16xi32> to vector<16xi32>
        %swap3A_945 = vector.shape_cast %add3A_939 : vector<16xi32> to vector<1x16xi32>
        tpu.vector_store %arg6[%swap3A_941, %swap3A_942], %swap3A_945 {strides = array<i32>} : memref<9x128xi32, #tpu.memory_space<vmem>>, vector<1x16xi32>,
        %get3A_946 = arith.constant 6 : i32
        %get3A_947 = arith.index_cast %get3A_946 : i32 to index
        %get3A_948 = arith.constant 112 : index
        %get3A_949 = tpu.vector_load %arg5[%get3A_947, %get3A_948] {strides = array<i32>} : memref<9x128xi32, #tpu.memory_space<vmem>>, vector<1x16xi32>,
        %get3A_950 = vector.shape_cast %get3A_949 : vector<1x16xi32> to vector<16xi32>
        %mul3A_951 = arith.constant 9 : i32
        %mul3A_952 = vector.broadcast %mul3A_951 : i32 to vector<16xi32>
        %mul3A_953 = arith.muli %get3A_950, %mul3A_952 : vector<16xi32>
        %add3A_954 = arith.constant 6 : i32
        %add3A_955 = vector.broadcast %add3A_954 : i32 to vector<16xi32>
        %add3A_956 = arith.addi %mul3A_953, %add3A_955 : vector<16xi32>
        %swap3A_957 = arith.constant 6 : i32
        %swap3A_958 = arith.index_cast %swap3A_957 : i32 to index
        %swap3A_959 = arith.constant 112 : index
        %swap3A_960 = tpu.vector_load %arg6[%swap3A_958, %swap3A_959] {strides = array<i32>} : memref<9x128xi32, #tpu.memory_space<vmem>>, vector<1x16xi32>,
        %swap3A_961 = vector.shape_cast %swap3A_960 : vector<1x16xi32> to vector<16xi32>
        %swap3A_962 = vector.shape_cast %add3A_956 : vector<16xi32> to vector<1x16xi32>
        tpu.vector_store %arg6[%swap3A_958, %swap3A_959], %swap3A_962 {strides = array<i32>} : memref<9x128xi32, #tpu.memory_space<vmem>>, vector<1x16xi32>,
        %get3A_963 = arith.constant 7 : i32
        %get3A_964 = arith.index_cast %get3A_963 : i32 to index
        %get3A_965 = arith.constant 0 : index
        %get3A_966 = tpu.vector_load %arg5[%get3A_964, %get3A_965] {strides = array<i32>} : memref<9x128xi32, #tpu.memory_space<vmem>>, vector<1x16xi32>,
        %get3A_967 = vector.shape_cast %get3A_966 : vector<1x16xi32> to vector<16xi32>
        %mul3A_968 = arith.constant 9 : i32
        %mul3A_969 = vector.broadcast %mul3A_968 : i32 to vector<16xi32>
        %mul3A_970 = arith.muli %get3A_967, %mul3A_969 : vector<16xi32>
        %add3A_971 = arith.constant 7 : i32
        %add3A_972 = vector.broadcast %add3A_971 : i32 to vector<16xi32>
        %add3A_973 = arith.addi %mul3A_970, %add3A_972 : vector<16xi32>
        %swap3A_974 = arith.constant 7 : i32
        %swap3A_975 = arith.index_cast %swap3A_974 : i32 to index
        %swap3A_976 = arith.constant 0 : index
        %swap3A_977 = tpu.vector_load %arg6[%swap3A_975, %swap3A_976] {strides = array<i32>} : memref<9x128xi32, #tpu.memory_space<vmem>>, vector<1x16xi32>,
        %swap3A_978 = vector.shape_cast %swap3A_977 : vector<1x16xi32> to vector<16xi32>
        %swap3A_979 = vector.shape_cast %add3A_973 : vector<16xi32> to vector<1x16xi32>
        tpu.vector_store %arg6[%swap3A_975, %swap3A_976], %swap3A_979 {strides = array<i32>} : memref<9x128xi32, #tpu.memory_space<vmem>>, vector<1x16xi32>,
        %get3A_980 = arith.constant 7 : i32
        %get3A_981 = arith.index_cast %get3A_980 : i32 to index
        %get3A_982 = arith.constant 16 : index
        %get3A_983 = tpu.vector_load %arg5[%get3A_981, %get3A_982] {strides = array<i32>} : memref<9x128xi32, #tpu.memory_space<vmem>>, vector<1x16xi32>,
        %get3A_984 = vector.shape_cast %get3A_983 : vector<1x16xi32> to vector<16xi32>
        %mul3A_985 = arith.constant 9 : i32
        %mul3A_986 = vector.broadcast %mul3A_985 : i32 to vector<16xi32>
        %mul3A_987 = arith.muli %get3A_984, %mul3A_986 : vector<16xi32>
        %add3A_988 = arith.constant 7 : i32
        %add3A_989 = vector.broadcast %add3A_988 : i32 to vector<16xi32>
        %add3A_990 = arith.addi %mul3A_987, %add3A_989 : vector<16xi32>
        %swap3A_991 = arith.constant 7 : i32
        %swap3A_992 = arith.index_cast %swap3A_991 : i32 to index
        %swap3A_993 = arith.constant 16 : index
        %swap3A_994 = tpu.vector_load %arg6[%swap3A_992, %swap3A_993] {strides = array<i32>} : memref<9x128xi32, #tpu.memory_space<vmem>>, vector<1x16xi32>,
        %swap3A_995 = vector.shape_cast %swap3A_994 : vector<1x16xi32> to vector<16xi32>
        %swap3A_996 = vector.shape_cast %add3A_990 : vector<16xi32> to vector<1x16xi32>
        tpu.vector_store %arg6[%swap3A_992, %swap3A_993], %swap3A_996 {strides = array<i32>} : memref<9x128xi32, #tpu.memory_space<vmem>>, vector<1x16xi32>,
        %get3A_997 = arith.constant 7 : i32
        %get3A_998 = arith.index_cast %get3A_997 : i32 to index
        %get3A_999 = arith.constant 32 : index
        %get3A_1000 = tpu.vector_load %arg5[%get3A_998, %get3A_999] {strides = array<i32>} : memref<9x128xi32, #tpu.memory_space<vmem>>, vector<1x16xi32>,
        %get3A_1001 = vector.shape_cast %get3A_1000 : vector<1x16xi32> to vector<16xi32>
        %mul3A_1002 = arith.constant 9 : i32
        %mul3A_1003 = vector.broadcast %mul3A_1002 : i32 to vector<16xi32>
        %mul3A_1004 = arith.muli %get3A_1001, %mul3A_1003 : vector<16xi32>
        %add3A_1005 = arith.constant 7 : i32
        %add3A_1006 = vector.broadcast %add3A_1005 : i32 to vector<16xi32>
        %add3A_1007 = arith.addi %mul3A_1004, %add3A_1006 : vector<16xi32>
        %swap3A_1008 = arith.constant 7 : i32
        %swap3A_1009 = arith.index_cast %swap3A_1008 : i32 to index
        %swap3A_1010 = arith.constant 32 : index
        %swap3A_1011 = tpu.vector_load %arg6[%swap3A_1009, %swap3A_1010] {strides = array<i32>} : memref<9x128xi32, #tpu.memory_space<vmem>>, vector<1x16xi32>,
        %swap3A_1012 = vector.shape_cast %swap3A_1011 : vector<1x16xi32> to vector<16xi32>
        %swap3A_1013 = vector.shape_cast %add3A_1007 : vector<16xi32> to vector<1x16xi32>
        tpu.vector_store %arg6[%swap3A_1009, %swap3A_1010], %swap3A_1013 {strides = array<i32>} : memref<9x128xi32, #tpu.memory_space<vmem>>, vector<1x16xi32>,
        %get3A_1014 = arith.constant 7 : i32
        %get3A_1015 = arith.index_cast %get3A_1014 : i32 to index
        %get3A_1016 = arith.constant 48 : index
        %get3A_1017 = tpu.vector_load %arg5[%get3A_1015, %get3A_1016] {strides = array<i32>} : memref<9x128xi32, #tpu.memory_space<vmem>>, vector<1x16xi32>,
        %get3A_1018 = vector.shape_cast %get3A_1017 : vector<1x16xi32> to vector<16xi32>
        %mul3A_1019 = arith.constant 9 : i32
        %mul3A_1020 = vector.broadcast %mul3A_1019 : i32 to vector<16xi32>
        %mul3A_1021 = arith.muli %get3A_1018, %mul3A_1020 : vector<16xi32>
        %add3A_1022 = arith.constant 7 : i32
        %add3A_1023 = vector.broadcast %add3A_1022 : i32 to vector<16xi32>
        %add3A_1024 = arith.addi %mul3A_1021, %add3A_1023 : vector<16xi32>
        %swap3A_1025 = arith.constant 7 : i32
        %swap3A_1026 = arith.index_cast %swap3A_1025 : i32 to index
        %swap3A_1027 = arith.constant 48 : index
        %swap3A_1028 = tpu.vector_load %arg6[%swap3A_1026, %swap3A_1027] {strides = array<i32>} : memref<9x128xi32, #tpu.memory_space<vmem>>, vector<1x16xi32>,
        %swap3A_1029 = vector.shape_cast %swap3A_1028 : vector<1x16xi32> to vector<16xi32>
        %swap3A_1030 = vector.shape_cast %add3A_1024 : vector<16xi32> to vector<1x16xi32>
        tpu.vector_store %arg6[%swap3A_1026, %swap3A_1027], %swap3A_1030 {strides = array<i32>} : memref<9x128xi32, #tpu.memory_space<vmem>>, vector<1x16xi32>,
        %get3A_1031 = arith.constant 7 : i32
        %get3A_1032 = arith.index_cast %get3A_1031 : i32 to index
        %get3A_1033 = arith.constant 64 : index
        %get3A_1034 = tpu.vector_load %arg5[%get3A_1032, %get3A_1033] {strides = array<i32>} : memref<9x128xi32, #tpu.memory_space<vmem>>, vector<1x16xi32>,
        %get3A_1035 = vector.shape_cast %get3A_1034 : vector<1x16xi32> to vector<16xi32>
        %mul3A_1036 = arith.constant 9 : i32
        %mul3A_1037 = vector.broadcast %mul3A_1036 : i32 to vector<16xi32>
        %mul3A_1038 = arith.muli %get3A_1035, %mul3A_1037 : vector<16xi32>
        %add3A_1039 = arith.constant 7 : i32
        %add3A_1040 = vector.broadcast %add3A_1039 : i32 to vector<16xi32>
        %add3A_1041 = arith.addi %mul3A_1038, %add3A_1040 : vector<16xi32>
        %swap3A_1042 = arith.constant 7 : i32
        %swap3A_1043 = arith.index_cast %swap3A_1042 : i32 to index
        %swap3A_1044 = arith.constant 64 : index
        %swap3A_1045 = tpu.vector_load %arg6[%swap3A_1043, %swap3A_1044] {strides = array<i32>} : memref<9x128xi32, #tpu.memory_space<vmem>>, vector<1x16xi32>,
        %swap3A_1046 = vector.shape_cast %swap3A_1045 : vector<1x16xi32> to vector<16xi32>
        %swap3A_1047 = vector.shape_cast %add3A_1041 : vector<16xi32> to vector<1x16xi32>
        tpu.vector_store %arg6[%swap3A_1043, %swap3A_1044], %swap3A_1047 {strides = array<i32>} : memref<9x128xi32, #tpu.memory_space<vmem>>, vector<1x16xi32>,
        %get3A_1048 = arith.constant 7 : i32
        %get3A_1049 = arith.index_cast %get3A_1048 : i32 to index
        %get3A_1050 = arith.constant 80 : index
        %get3A_1051 = tpu.vector_load %arg5[%get3A_1049, %get3A_1050] {strides = array<i32>} : memref<9x128xi32, #tpu.memory_space<vmem>>, vector<1x16xi32>,
        %get3A_1052 = vector.shape_cast %get3A_1051 : vector<1x16xi32> to vector<16xi32>
        %mul3A_1053 = arith.constant 9 : i32
        %mul3A_1054 = vector.broadcast %mul3A_1053 : i32 to vector<16xi32>
        %mul3A_1055 = arith.muli %get3A_1052, %mul3A_1054 : vector<16xi32>
        %add3A_1056 = arith.constant 7 : i32
        %add3A_1057 = vector.broadcast %add3A_1056 : i32 to vector<16xi32>
        %add3A_1058 = arith.addi %mul3A_1055, %add3A_1057 : vector<16xi32>
        %swap3A_1059 = arith.constant 7 : i32
        %swap3A_1060 = arith.index_cast %swap3A_1059 : i32 to index
        %swap3A_1061 = arith.constant 80 : index
        %swap3A_1062 = tpu.vector_load %arg6[%swap3A_1060, %swap3A_1061] {strides = array<i32>} : memref<9x128xi32, #tpu.memory_space<vmem>>, vector<1x16xi32>,
        %swap3A_1063 = vector.shape_cast %swap3A_1062 : vector<1x16xi32> to vector<16xi32>
        %swap3A_1064 = vector.shape_cast %add3A_1058 : vector<16xi32> to vector<1x16xi32>
        tpu.vector_store %arg6[%swap3A_1060, %swap3A_1061], %swap3A_1064 {strides = array<i32>} : memref<9x128xi32, #tpu.memory_space<vmem>>, vector<1x16xi32>,
        %get3A_1065 = arith.constant 7 : i32
        %get3A_1066 = arith.index_cast %get3A_1065 : i32 to index
        %get3A_1067 = arith.constant 96 : index
        %get3A_1068 = tpu.vector_load %arg5[%get3A_1066, %get3A_1067] {strides = array<i32>} : memref<9x128xi32, #tpu.memory_space<vmem>>, vector<1x16xi32>,
        %get3A_1069 = vector.shape_cast %get3A_1068 : vector<1x16xi32> to vector<16xi32>
        %mul3A_1070 = arith.constant 9 : i32
        %mul3A_1071 = vector.broadcast %mul3A_1070 : i32 to vector<16xi32>
        %mul3A_1072 = arith.muli %get3A_1069, %mul3A_1071 : vector<16xi32>
        %add3A_1073 = arith.constant 7 : i32
        %add3A_1074 = vector.broadcast %add3A_1073 : i32 to vector<16xi32>
        %add3A_1075 = arith.addi %mul3A_1072, %add3A_1074 : vector<16xi32>
        %swap3A_1076 = arith.constant 7 : i32
        %swap3A_1077 = arith.index_cast %swap3A_1076 : i32 to index
        %swap3A_1078 = arith.constant 96 : index
        %swap3A_1079 = tpu.vector_load %arg6[%swap3A_1077, %swap3A_1078] {strides = array<i32>} : memref<9x128xi32, #tpu.memory_space<vmem>>, vector<1x16xi32>,
        %swap3A_1080 = vector.shape_cast %swap3A_1079 : vector<1x16xi32> to vector<16xi32>
        %swap3A_1081 = vector.shape_cast %add3A_1075 : vector<16xi32> to vector<1x16xi32>
        tpu.vector_store %arg6[%swap3A_1077, %swap3A_1078], %swap3A_1081 {strides = array<i32>} : memref<9x128xi32, #tpu.memory_space<vmem>>, vector<1x16xi32>,
        %get3A_1082 = arith.constant 7 : i32
        %get3A_1083 = arith.index_cast %get3A_1082 : i32 to index
        %get3A_1084 = arith.constant 112 : index
        %get3A_1085 = tpu.vector_load %arg5[%get3A_1083, %get3A_1084] {strides = array<i32>} : memref<9x128xi32, #tpu.memory_space<vmem>>, vector<1x16xi32>,
        %get3A_1086 = vector.shape_cast %get3A_1085 : vector<1x16xi32> to vector<16xi32>
        %mul3A_1087 = arith.constant 9 : i32
        %mul3A_1088 = vector.broadcast %mul3A_1087 : i32 to vector<16xi32>
        %mul3A_1089 = arith.muli %get3A_1086, %mul3A_1088 : vector<16xi32>
        %add3A_1090 = arith.constant 7 : i32
        %add3A_1091 = vector.broadcast %add3A_1090 : i32 to vector<16xi32>
        %add3A_1092 = arith.addi %mul3A_1089, %add3A_1091 : vector<16xi32>
        %swap3A_1093 = arith.constant 7 : i32
        %swap3A_1094 = arith.index_cast %swap3A_1093 : i32 to index
        %swap3A_1095 = arith.constant 112 : index
        %swap3A_1096 = tpu.vector_load %arg6[%swap3A_1094, %swap3A_1095] {strides = array<i32>} : memref<9x128xi32, #tpu.memory_space<vmem>>, vector<1x16xi32>,
        %swap3A_1097 = vector.shape_cast %swap3A_1096 : vector<1x16xi32> to vector<16xi32>
        %swap3A_1098 = vector.shape_cast %add3A_1092 : vector<16xi32> to vector<1x16xi32>
        tpu.vector_store %arg6[%swap3A_1094, %swap3A_1095], %swap3A_1098 {strides = array<i32>} : memref<9x128xi32, #tpu.memory_space<vmem>>, vector<1x16xi32>,
        %get3A_1099 = arith.constant 8 : i32
        %get3A_1100 = arith.index_cast %get3A_1099 : i32 to index
        %get3A_1101 = arith.constant 0 : index
        %get3A_1102 = tpu.vector_load %arg5[%get3A_1100, %get3A_1101] {strides = array<i32>} : memref<9x128xi32, #tpu.memory_space<vmem>>, vector<1x16xi32>,
        %get3A_1103 = vector.shape_cast %get3A_1102 : vector<1x16xi32> to vector<16xi32>
        %mul3A_1104 = arith.constant 9 : i32
        %mul3A_1105 = vector.broadcast %mul3A_1104 : i32 to vector<16xi32>
        %mul3A_1106 = arith.muli %get3A_1103, %mul3A_1105 : vector<16xi32>
        %add3A_1107 = arith.constant 8 : i32
        %add3A_1108 = vector.broadcast %add3A_1107 : i32 to vector<16xi32>
        %add3A_1109 = arith.addi %mul3A_1106, %add3A_1108 : vector<16xi32>
        %swap3A_1110 = arith.constant 8 : i32
        %swap3A_1111 = arith.index_cast %swap3A_1110 : i32 to index
        %swap3A_1112 = arith.constant 0 : index
        %swap3A_1113 = tpu.vector_load %arg6[%swap3A_1111, %swap3A_1112] {strides = array<i32>} : memref<9x128xi32, #tpu.memory_space<vmem>>, vector<1x16xi32>,
        %swap3A_1114 = vector.shape_cast %swap3A_1113 : vector<1x16xi32> to vector<16xi32>
        %swap3A_1115 = vector.shape_cast %add3A_1109 : vector<16xi32> to vector<1x16xi32>
        tpu.vector_store %arg6[%swap3A_1111, %swap3A_1112], %swap3A_1115 {strides = array<i32>} : memref<9x128xi32, #tpu.memory_space<vmem>>, vector<1x16xi32>,
        %get3A_1116 = arith.constant 8 : i32
        %get3A_1117 = arith.index_cast %get3A_1116 : i32 to index
        %get3A_1118 = arith.constant 16 : index
        %get3A_1119 = tpu.vector_load %arg5[%get3A_1117, %get3A_1118] {strides = array<i32>} : memref<9x128xi32, #tpu.memory_space<vmem>>, vector<1x16xi32>,
        %get3A_1120 = vector.shape_cast %get3A_1119 : vector<1x16xi32> to vector<16xi32>
        %mul3A_1121 = arith.constant 9 : i32
        %mul3A_1122 = vector.broadcast %mul3A_1121 : i32 to vector<16xi32>
        %mul3A_1123 = arith.muli %get3A_1120, %mul3A_1122 : vector<16xi32>
        %add3A_1124 = arith.constant 8 : i32
        %add3A_1125 = vector.broadcast %add3A_1124 : i32 to vector<16xi32>
        %add3A_1126 = arith.addi %mul3A_1123, %add3A_1125 : vector<16xi32>
        %swap3A_1127 = arith.constant 8 : i32
        %swap3A_1128 = arith.index_cast %swap3A_1127 : i32 to index
        %swap3A_1129 = arith.constant 16 : index
        %swap3A_1130 = tpu.vector_load %arg6[%swap3A_1128, %swap3A_1129] {strides = array<i32>} : memref<9x128xi32, #tpu.memory_space<vmem>>, vector<1x16xi32>,
        %swap3A_1131 = vector.shape_cast %swap3A_1130 : vector<1x16xi32> to vector<16xi32>
        %swap3A_1132 = vector.shape_cast %add3A_1126 : vector<16xi32> to vector<1x16xi32>
        tpu.vector_store %arg6[%swap3A_1128, %swap3A_1129], %swap3A_1132 {strides = array<i32>} : memref<9x128xi32, #tpu.memory_space<vmem>>, vector<1x16xi32>,
        %get3A_1133 = arith.constant 8 : i32
        %get3A_1134 = arith.index_cast %get3A_1133 : i32 to index
        %get3A_1135 = arith.constant 32 : index
        %get3A_1136 = tpu.vector_load %arg5[%get3A_1134, %get3A_1135] {strides = array<i32>} : memref<9x128xi32, #tpu.memory_space<vmem>>, vector<1x16xi32>,
        %get3A_1137 = vector.shape_cast %get3A_1136 : vector<1x16xi32> to vector<16xi32>
        %mul3A_1138 = arith.constant 9 : i32
        %mul3A_1139 = vector.broadcast %mul3A_1138 : i32 to vector<16xi32>
        %mul3A_1140 = arith.muli %get3A_1137, %mul3A_1139 : vector<16xi32>
        %add3A_1141 = arith.constant 8 : i32
        %add3A_1142 = vector.broadcast %add3A_1141 : i32 to vector<16xi32>
        %add3A_1143 = arith.addi %mul3A_1140, %add3A_1142 : vector<16xi32>
        %swap3A_1144 = arith.constant 8 : i32
        %swap3A_1145 = arith.index_cast %swap3A_1144 : i32 to index
        %swap3A_1146 = arith.constant 32 : index
        %swap3A_1147 = tpu.vector_load %arg6[%swap3A_1145, %swap3A_1146] {strides = array<i32>} : memref<9x128xi32, #tpu.memory_space<vmem>>, vector<1x16xi32>,
        %swap3A_1148 = vector.shape_cast %swap3A_1147 : vector<1x16xi32> to vector<16xi32>
        %swap3A_1149 = vector.shape_cast %add3A_1143 : vector<16xi32> to vector<1x16xi32>
        tpu.vector_store %arg6[%swap3A_1145, %swap3A_1146], %swap3A_1149 {strides = array<i32>} : memref<9x128xi32, #tpu.memory_space<vmem>>, vector<1x16xi32>,
        %get3A_1150 = arith.constant 8 : i32
        %get3A_1151 = arith.index_cast %get3A_1150 : i32 to index
        %get3A_1152 = arith.constant 48 : index
        %get3A_1153 = tpu.vector_load %arg5[%get3A_1151, %get3A_1152] {strides = array<i32>} : memref<9x128xi32, #tpu.memory_space<vmem>>, vector<1x16xi32>,
        %get3A_1154 = vector.shape_cast %get3A_1153 : vector<1x16xi32> to vector<16xi32>
        %mul3A_1155 = arith.constant 9 : i32
        %mul3A_1156 = vector.broadcast %mul3A_1155 : i32 to vector<16xi32>
        %mul3A_1157 = arith.muli %get3A_1154, %mul3A_1156 : vector<16xi32>
        %add3A_1158 = arith.constant 8 : i32
        %add3A_1159 = vector.broadcast %add3A_1158 : i32 to vector<16xi32>
        %add3A_1160 = arith.addi %mul3A_1157, %add3A_1159 : vector<16xi32>
        %swap3A_1161 = arith.constant 8 : i32
        %swap3A_1162 = arith.index_cast %swap3A_1161 : i32 to index
        %swap3A_1163 = arith.constant 48 : index
        %swap3A_1164 = tpu.vector_load %arg6[%swap3A_1162, %swap3A_1163] {strides = array<i32>} : memref<9x128xi32, #tpu.memory_space<vmem>>, vector<1x16xi32>,
        %swap3A_1165 = vector.shape_cast %swap3A_1164 : vector<1x16xi32> to vector<16xi32>
        %swap3A_1166 = vector.shape_cast %add3A_1160 : vector<16xi32> to vector<1x16xi32>
        tpu.vector_store %arg6[%swap3A_1162, %swap3A_1163], %swap3A_1166 {strides = array<i32>} : memref<9x128xi32, #tpu.memory_space<vmem>>, vector<1x16xi32>,
        %get3A_1167 = arith.constant 8 : i32
        %get3A_1168 = arith.index_cast %get3A_1167 : i32 to index
        %get3A_1169 = arith.constant 64 : index
        %get3A_1170 = tpu.vector_load %arg5[%get3A_1168, %get3A_1169] {strides = array<i32>} : memref<9x128xi32, #tpu.memory_space<vmem>>, vector<1x16xi32>,
        %get3A_1171 = vector.shape_cast %get3A_1170 : vector<1x16xi32> to vector<16xi32>
        %mul3A_1172 = arith.constant 9 : i32
        %mul3A_1173 = vector.broadcast %mul3A_1172 : i32 to vector<16xi32>
        %mul3A_1174 = arith.muli %get3A_1171, %mul3A_1173 : vector<16xi32>
        %add3A_1175 = arith.constant 8 : i32
        %add3A_1176 = vector.broadcast %add3A_1175 : i32 to vector<16xi32>
        %add3A_1177 = arith.addi %mul3A_1174, %add3A_1176 : vector<16xi32>
        %swap3A_1178 = arith.constant 8 : i32
        %swap3A_1179 = arith.index_cast %swap3A_1178 : i32 to index
        %swap3A_1180 = arith.constant 64 : index
        %swap3A_1181 = tpu.vector_load %arg6[%swap3A_1179, %swap3A_1180] {strides = array<i32>} : memref<9x128xi32, #tpu.memory_space<vmem>>, vector<1x16xi32>,
        %swap3A_1182 = vector.shape_cast %swap3A_1181 : vector<1x16xi32> to vector<16xi32>
        %swap3A_1183 = vector.shape_cast %add3A_1177 : vector<16xi32> to vector<1x16xi32>
        tpu.vector_store %arg6[%swap3A_1179, %swap3A_1180], %swap3A_1183 {strides = array<i32>} : memref<9x128xi32, #tpu.memory_space<vmem>>, vector<1x16xi32>,
        %get3A_1184 = arith.constant 8 : i32
        %get3A_1185 = arith.index_cast %get3A_1184 : i32 to index
        %get3A_1186 = arith.constant 80 : index
        %get3A_1187 = tpu.vector_load %arg5[%get3A_1185, %get3A_1186] {strides = array<i32>} : memref<9x128xi32, #tpu.memory_space<vmem>>, vector<1x16xi32>,
        %get3A_1188 = vector.shape_cast %get3A_1187 : vector<1x16xi32> to vector<16xi32>
        %mul3A_1189 = arith.constant 9 : i32
        %mul3A_1190 = vector.broadcast %mul3A_1189 : i32 to vector<16xi32>
        %mul3A_1191 = arith.muli %get3A_1188, %mul3A_1190 : vector<16xi32>
        %add3A_1192 = arith.constant 8 : i32
        %add3A_1193 = vector.broadcast %add3A_1192 : i32 to vector<16xi32>
        %add3A_1194 = arith.addi %mul3A_1191, %add3A_1193 : vector<16xi32>
        %swap3A_1195 = arith.constant 8 : i32
        %swap3A_1196 = arith.index_cast %swap3A_1195 : i32 to index
        %swap3A_1197 = arith.constant 80 : index
        %swap3A_1198 = tpu.vector_load %arg6[%swap3A_1196, %swap3A_1197] {strides = array<i32>} : memref<9x128xi32, #tpu.memory_space<vmem>>, vector<1x16xi32>,
        %swap3A_1199 = vector.shape_cast %swap3A_1198 : vector<1x16xi32> to vector<16xi32>
        %swap3A_1200 = vector.shape_cast %add3A_1194 : vector<16xi32> to vector<1x16xi32>
        tpu.vector_store %arg6[%swap3A_1196, %swap3A_1197], %swap3A_1200 {strides = array<i32>} : memref<9x128xi32, #tpu.memory_space<vmem>>, vector<1x16xi32>,
        %get3A_1201 = arith.constant 8 : i32
        %get3A_1202 = arith.index_cast %get3A_1201 : i32 to index
        %get3A_1203 = arith.constant 96 : index
        %get3A_1204 = tpu.vector_load %arg5[%get3A_1202, %get3A_1203] {strides = array<i32>} : memref<9x128xi32, #tpu.memory_space<vmem>>, vector<1x16xi32>,
        %get3A_1205 = vector.shape_cast %get3A_1204 : vector<1x16xi32> to vector<16xi32>
        %mul3A_1206 = arith.constant 9 : i32
        %mul3A_1207 = vector.broadcast %mul3A_1206 : i32 to vector<16xi32>
        %mul3A_1208 = arith.muli %get3A_1205, %mul3A_1207 : vector<16xi32>
        %add3A_1209 = arith.constant 8 : i32
        %add3A_1210 = vector.broadcast %add3A_1209 : i32 to vector<16xi32>
        %add3A_1211 = arith.addi %mul3A_1208, %add3A_1210 : vector<16xi32>
        %swap3A_1212 = arith.constant 8 : i32
        %swap3A_1213 = arith.index_cast %swap3A_1212 : i32 to index
        %swap3A_1214 = arith.constant 96 : index
        %swap3A_1215 = tpu.vector_load %arg6[%swap3A_1213, %swap3A_1214] {strides = array<i32>} : memref<9x128xi32, #tpu.memory_space<vmem>>, vector<1x16xi32>,
        %swap3A_1216 = vector.shape_cast %swap3A_1215 : vector<1x16xi32> to vector<16xi32>
        %swap3A_1217 = vector.shape_cast %add3A_1211 : vector<16xi32> to vector<1x16xi32>
        tpu.vector_store %arg6[%swap3A_1213, %swap3A_1214], %swap3A_1217 {strides = array<i32>} : memref<9x128xi32, #tpu.memory_space<vmem>>, vector<1x16xi32>,
        %get3A_1218 = arith.constant 8 : i32
        %get3A_1219 = arith.index_cast %get3A_1218 : i32 to index
        %get3A_1220 = arith.constant 112 : index
        %get3A_1221 = tpu.vector_load %arg5[%get3A_1219, %get3A_1220] {strides = array<i32>} : memref<9x128xi32, #tpu.memory_space<vmem>>, vector<1x16xi32>,
        %get3A_1222 = vector.shape_cast %get3A_1221 : vector<1x16xi32> to vector<16xi32>
        %mul3A_1223 = arith.constant 9 : i32
        %mul3A_1224 = vector.broadcast %mul3A_1223 : i32 to vector<16xi32>
        %mul3A_1225 = arith.muli %get3A_1222, %mul3A_1224 : vector<16xi32>
        %add3A_1226 = arith.constant 8 : i32
        %add3A_1227 = vector.broadcast %add3A_1226 : i32 to vector<16xi32>
        %add3A_1228 = arith.addi %mul3A_1225, %add3A_1227 : vector<16xi32>
        %swap3A_1229 = arith.constant 8 : i32
        %swap3A_1230 = arith.index_cast %swap3A_1229 : i32 to index
        %swap3A_1231 = arith.constant 112 : index
        %swap3A_1232 = tpu.vector_load %arg6[%swap3A_1230, %swap3A_1231] {strides = array<i32>} : memref<9x128xi32, #tpu.memory_space<vmem>>, vector<1x16xi32>,
        %swap3A_1233 = vector.shape_cast %swap3A_1232 : vector<1x16xi32> to vector<16xi32>
        %swap3A_1234 = vector.shape_cast %add3A_1228 : vector<16xi32> to vector<1x16xi32>
        tpu.vector_store %arg6[%swap3A_1230, %swap3A_1231], %swap3A_1234 {strides = array<i32>} : memref<9x128xi32, #tpu.memory_space<vmem>>, vector<1x16xi32>,
        %scan3A_1235 = arith.constant 0 : i32
        %scan3A_1236 = arith.constant 0 : i32
        %scan3A_1237 = arith.constant 128 : i32
        %scan3A_1238 = arith.addi %scan3A_1236, %scan3A_1237 : i32
        %scan3A_1239 = arith.constant 1 : i32
        scf.for %scan3A_1367 = %scan3A_1236 to %scan3A_1238 step %scan3A_1239  : i32 {
          %swap3A_1368 = arith.index_cast %scan3A_1367 : i32 to index
          %swap3A_1369 = arith.constant 0 : index
          %swap3A_1370 = tpu.vector_load %arg7[%swap3A_1368, %swap3A_1369] {strides = array<i32>} : memref<128x128xf32, #tpu.memory_space<vmem>>, vector<1x16xf32>,
          %swap3A_1371 = vector.shape_cast %swap3A_1370 : vector<1x16xf32> to vector<16xf32>
          %swap3A_1372 = vector.shape_cast %broadcast_in_dim3A_1 : vector<16xf32> to vector<1x16xf32>
          tpu.vector_store %arg7[%swap3A_1368, %swap3A_1369], %swap3A_1372 {strides = array<i32>} : memref<128x128xf32, #tpu.memory_space<vmem>>, vector<1x16xf32>,
          %swap3A_1373 = arith.index_cast %scan3A_1367 : i32 to index
          %swap3A_1374 = arith.constant 16 : index
          %swap3A_1375 = tpu.vector_load %arg7[%swap3A_1373, %swap3A_1374] {strides = array<i32>} : memref<128x128xf32, #tpu.memory_space<vmem>>, vector<1x16xf32>,
          %swap3A_1376 = vector.shape_cast %swap3A_1375 : vector<1x16xf32> to vector<16xf32>
          %swap3A_1377 = vector.shape_cast %broadcast_in_dim3A_1 : vector<16xf32> to vector<1x16xf32>
          tpu.vector_store %arg7[%swap3A_1373, %swap3A_1374], %swap3A_1377 {strides = array<i32>} : memref<128x128xf32, #tpu.memory_space<vmem>>, vector<1x16xf32>,
          %swap3A_1378 = arith.index_cast %scan3A_1367 : i32 to index
          %swap3A_1379 = arith.constant 32 : index
          %swap3A_1380 = tpu.vector_load %arg7[%swap3A_1378, %swap3A_1379] {strides = array<i32>} : memref<128x128xf32, #tpu.memory_space<vmem>>, vector<1x16xf32>,
          %swap3A_1381 = vector.shape_cast %swap3A_1380 : vector<1x16xf32> to vector<16xf32>
          %swap3A_1382 = vector.shape_cast %broadcast_in_dim3A_1 : vector<16xf32> to vector<1x16xf32>
          tpu.vector_store %arg7[%swap3A_1378, %swap3A_1379], %swap3A_1382 {strides = array<i32>} : memref<128x128xf32, #tpu.memory_space<vmem>>, vector<1x16xf32>,
          %swap3A_1383 = arith.index_cast %scan3A_1367 : i32 to index
          %swap3A_1384 = arith.constant 48 : index
          %swap3A_1385 = tpu.vector_load %arg7[%swap3A_1383, %swap3A_1384] {strides = array<i32>} : memref<128x128xf32, #tpu.memory_space<vmem>>, vector<1x16xf32>,
          %swap3A_1386 = vector.shape_cast %swap3A_1385 : vector<1x16xf32> to vector<16xf32>
          %swap3A_1387 = vector.shape_cast %broadcast_in_dim3A_1 : vector<16xf32> to vector<1x16xf32>
          tpu.vector_store %arg7[%swap3A_1383, %swap3A_1384], %swap3A_1387 {strides = array<i32>} : memref<128x128xf32, #tpu.memory_space<vmem>>, vector<1x16xf32>,
          %swap3A_1388 = arith.index_cast %scan3A_1367 : i32 to index
          %swap3A_1389 = arith.constant 64 : index
          %swap3A_1390 = tpu.vector_load %arg7[%swap3A_1388, %swap3A_1389] {strides = array<i32>} : memref<128x128xf32, #tpu.memory_space<vmem>>, vector<1x16xf32>,
          %swap3A_1391 = vector.shape_cast %swap3A_1390 : vector<1x16xf32> to vector<16xf32>
          %swap3A_1392 = vector.shape_cast %broadcast_in_dim3A_1 : vector<16xf32> to vector<1x16xf32>
          tpu.vector_store %arg7[%swap3A_1388, %swap3A_1389], %swap3A_1392 {strides = array<i32>} : memref<128x128xf32, #tpu.memory_space<vmem>>, vector<1x16xf32>,
          %swap3A_1393 = arith.index_cast %scan3A_1367 : i32 to index
          %swap3A_1394 = arith.constant 80 : index
          %swap3A_1395 = tpu.vector_load %arg7[%swap3A_1393, %swap3A_1394] {strides = array<i32>} : memref<128x128xf32, #tpu.memory_space<vmem>>, vector<1x16xf32>,
          %swap3A_1396 = vector.shape_cast %swap3A_1395 : vector<1x16xf32> to vector<16xf32>
          %swap3A_1397 = vector.shape_cast %broadcast_in_dim3A_1 : vector<16xf32> to vector<1x16xf32>
          tpu.vector_store %arg7[%swap3A_1393, %swap3A_1394], %swap3A_1397 {strides = array<i32>} : memref<128x128xf32, #tpu.memory_space<vmem>>, vector<1x16xf32>,
          %swap3A_1398 = arith.index_cast %scan3A_1367 : i32 to index
          %swap3A_1399 = arith.constant 96 : index
          %swap3A_1400 = tpu.vector_load %arg7[%swap3A_1398, %swap3A_1399] {strides = array<i32>} : memref<128x128xf32, #tpu.memory_space<vmem>>, vector<1x16xf32>,
          %swap3A_1401 = vector.shape_cast %swap3A_1400 : vector<1x16xf32> to vector<16xf32>
          %swap3A_1402 = vector.shape_cast %broadcast_in_dim3A_1 : vector<16xf32> to vector<1x16xf32>
          tpu.vector_store %arg7[%swap3A_1398, %swap3A_1399], %swap3A_1402 {strides = array<i32>} : memref<128x128xf32, #tpu.memory_space<vmem>>, vector<1x16xf32>,
          %swap3A_1403 = arith.index_cast %scan3A_1367 : i32 to index
          %swap3A_1404 = arith.constant 112 : index
          %swap3A_1405 = tpu.vector_load %arg7[%swap3A_1403, %swap3A_1404] {strides = array<i32>} : memref<128x128xf32, #tpu.memory_space<vmem>>, vector<1x16xf32>,
          %swap3A_1406 = vector.shape_cast %swap3A_1405 : vector<1x16xf32> to vector<16xf32>
          %swap3A_1407 = vector.shape_cast %broadcast_in_dim3A_1 : vector<16xf32> to vector<1x16xf32>
          tpu.vector_store %arg7[%swap3A_1403, %swap3A_1404], %swap3A_1407 {strides = array<i32>} : memref<128x128xf32, #tpu.memory_space<vmem>>, vector<1x16xf32>,
        }
        %scan3A_1240 = arith.constant 128 : i32
        %dma_start3A = arith.constant 0 : i32
        %dma_start3A_1241 = arith.constant 0 : i32
        %dma_start3A_1242 = tpu.memref_slice %arg6[%dma_start3A, %dma_start3A_1241] : memref<9x128xi32, #tpu.memory_space<vmem>> -> memref<1x128xi32, #tpu.memory_space<vmem>>
        %dma_start3A_1243 = tpu.memref_squeeze %dma_start3A_1242 : memref<1x128xi32, #tpu.memory_space<vmem>> -> memref<128xi32, #tpu.memory_space<vmem>>
        %dma_start3A_1244 = arith.constant 0 : i32
        %dma_start3A_1245 = arith.constant 0 : i32
        %dma_start3A_1246 = tpu.memref_slice %arg2[%dma_start3A_1244, %dma_start3A_1245] : memref<450000x128xf32, #tpu.memory_space<hbm>> -> memref<450000x128xf32, #tpu.memory_space<hbm>>
        tpu.enqueue_indirect_dma source(%dma_start3A_1246 : memref<450000x128xf32, #tpu.memory_space<hbm>>) target(%arg7 : memref<128x128xf32, #tpu.memory_space<vmem>>) offsets(%dma_start3A_1243 : memref<128xi32, #tpu.memory_space<vmem>>) semaphore(%arg8 : memref<!tpu.dma_semaphore, #tpu.memory_space<semaphore_mem>>) {add = true}
        %dma_start3A_1247 = arith.constant 1 : i32
        %dma_start3A_1248 = arith.constant 0 : i32
        %dma_start3A_1249 = tpu.memref_slice %arg6[%dma_start3A_1247, %dma_start3A_1248] : memref<9x128xi32, #tpu.memory_space<vmem>> -> memref<1x128xi32, #tpu.memory_space<vmem>>
        %dma_start3A_1250 = tpu.memref_squeeze %dma_start3A_1249 : memref<1x128xi32, #tpu.memory_space<vmem>> -> memref<128xi32, #tpu.memory_space<vmem>>
        %dma_start3A_1251 = arith.constant 0 : i32
        %dma_start3A_1252 = arith.constant 0 : i32
        %dma_start3A_1253 = tpu.memref_slice %arg2[%dma_start3A_1251, %dma_start3A_1252] : memref<450000x128xf32, #tpu.memory_space<hbm>> -> memref<450000x128xf32, #tpu.memory_space<hbm>>
        tpu.enqueue_indirect_dma source(%dma_start3A_1253 : memref<450000x128xf32, #tpu.memory_space<hbm>>) target(%arg7 : memref<128x128xf32, #tpu.memory_space<vmem>>) offsets(%dma_start3A_1250 : memref<128xi32, #tpu.memory_space<vmem>>) semaphore(%arg8 : memref<!tpu.dma_semaphore, #tpu.memory_space<semaphore_mem>>) {add = true}
        %dma_start3A_1254 = arith.constant 2 : i32
        %dma_start3A_1255 = arith.constant 0 : i32
        %dma_start3A_1256 = tpu.memref_slice %arg6[%dma_start3A_1254, %dma_start3A_1255] : memref<9x128xi32, #tpu.memory_space<vmem>> -> memref<1x128xi32, #tpu.memory_space<vmem>>
        %dma_start3A_1257 = tpu.memref_squeeze %dma_start3A_1256 : memref<1x128xi32, #tpu.memory_space<vmem>> -> memref<128xi32, #tpu.memory_space<vmem>>
        %dma_start3A_1258 = arith.constant 0 : i32
        %dma_start3A_1259 = arith.constant 0 : i32
        %dma_start3A_1260 = tpu.memref_slice %arg2[%dma_start3A_1258, %dma_start3A_1259] : memref<450000x128xf32, #tpu.memory_space<hbm>> -> memref<450000x128xf32, #tpu.memory_space<hbm>>
        tpu.enqueue_indirect_dma source(%dma_start3A_1260 : memref<450000x128xf32, #tpu.memory_space<hbm>>) target(%arg7 : memref<128x128xf32, #tpu.memory_space<vmem>>) offsets(%dma_start3A_1257 : memref<128xi32, #tpu.memory_space<vmem>>) semaphore(%arg8 : memref<!tpu.dma_semaphore, #tpu.memory_space<semaphore_mem>>) {add = true}
        %dma_start3A_1261 = arith.constant 3 : i32
        %dma_start3A_1262 = arith.constant 0 : i32
        %dma_start3A_1263 = tpu.memref_slice %arg6[%dma_start3A_1261, %dma_start3A_1262] : memref<9x128xi32, #tpu.memory_space<vmem>> -> memref<1x128xi32, #tpu.memory_space<vmem>>
        %dma_start3A_1264 = tpu.memref_squeeze %dma_start3A_1263 : memref<1x128xi32, #tpu.memory_space<vmem>> -> memref<128xi32, #tpu.memory_space<vmem>>
        %dma_start3A_1265 = arith.constant 0 : i32
        %dma_start3A_1266 = arith.constant 0 : i32
        %dma_start3A_1267 = tpu.memref_slice %arg2[%dma_start3A_1265, %dma_start3A_1266] : memref<450000x128xf32, #tpu.memory_space<hbm>> -> memref<450000x128xf32, #tpu.memory_space<hbm>>
        tpu.enqueue_indirect_dma source(%dma_start3A_1267 : memref<450000x128xf32, #tpu.memory_space<hbm>>) target(%arg7 : memref<128x128xf32, #tpu.memory_space<vmem>>) offsets(%dma_start3A_1264 : memref<128xi32, #tpu.memory_space<vmem>>) semaphore(%arg8 : memref<!tpu.dma_semaphore, #tpu.memory_space<semaphore_mem>>) {add = true}
        %dma_start3A_1268 = arith.constant 4 : i32
        %dma_start3A_1269 = arith.constant 0 : i32
        %dma_start3A_1270 = tpu.memref_slice %arg6[%dma_start3A_1268, %dma_start3A_1269] : memref<9x128xi32, #tpu.memory_space<vmem>> -> memref<1x128xi32, #tpu.memory_space<vmem>>
        %dma_start3A_1271 = tpu.memref_squeeze %dma_start3A_1270 : memref<1x128xi32, #tpu.memory_space<vmem>> -> memref<128xi32, #tpu.memory_space<vmem>>
        %dma_start3A_1272 = arith.constant 0 : i32
        %dma_start3A_1273 = arith.constant 0 : i32
        %dma_start3A_1274 = tpu.memref_slice %arg2[%dma_start3A_1272, %dma_start3A_1273] : memref<450000x128xf32, #tpu.memory_space<hbm>> -> memref<450000x128xf32, #tpu.memory_space<hbm>>
        tpu.enqueue_indirect_dma source(%dma_start3A_1274 : memref<450000x128xf32, #tpu.memory_space<hbm>>) target(%arg7 : memref<128x128xf32, #tpu.memory_space<vmem>>) offsets(%dma_start3A_1271 : memref<128xi32, #tpu.memory_space<vmem>>) semaphore(%arg8 : memref<!tpu.dma_semaphore, #tpu.memory_space<semaphore_mem>>) {add = true}
        %dma_start3A_1275 = arith.constant 5 : i32
        %dma_start3A_1276 = arith.constant 0 : i32
        %dma_start3A_1277 = tpu.memref_slice %arg6[%dma_start3A_1275, %dma_start3A_1276] : memref<9x128xi32, #tpu.memory_space<vmem>> -> memref<1x128xi32, #tpu.memory_space<vmem>>
        %dma_start3A_1278 = tpu.memref_squeeze %dma_start3A_1277 : memref<1x128xi32, #tpu.memory_space<vmem>> -> memref<128xi32, #tpu.memory_space<vmem>>
        %dma_start3A_1279 = arith.constant 0 : i32
        %dma_start3A_1280 = arith.constant 0 : i32
        %dma_start3A_1281 = tpu.memref_slice %arg2[%dma_start3A_1279, %dma_start3A_1280] : memref<450000x128xf32, #tpu.memory_space<hbm>> -> memref<450000x128xf32, #tpu.memory_space<hbm>>
        tpu.enqueue_indirect_dma source(%dma_start3A_1281 : memref<450000x128xf32, #tpu.memory_space<hbm>>) target(%arg7 : memref<128x128xf32, #tpu.memory_space<vmem>>) offsets(%dma_start3A_1278 : memref<128xi32, #tpu.memory_space<vmem>>) semaphore(%arg8 : memref<!tpu.dma_semaphore, #tpu.memory_space<semaphore_mem>>) {add = true}
        %dma_start3A_1282 = arith.constant 6 : i32
        %dma_start3A_1283 = arith.constant 0 : i32
        %dma_start3A_1284 = tpu.memref_slice %arg6[%dma_start3A_1282, %dma_start3A_1283] : memref<9x128xi32, #tpu.memory_space<vmem>> -> memref<1x128xi32, #tpu.memory_space<vmem>>
        %dma_start3A_1285 = tpu.memref_squeeze %dma_start3A_1284 : memref<1x128xi32, #tpu.memory_space<vmem>> -> memref<128xi32, #tpu.memory_space<vmem>>
        %dma_start3A_1286 = arith.constant 0 : i32
        %dma_start3A_1287 = arith.constant 0 : i32
        %dma_start3A_1288 = tpu.memref_slice %arg2[%dma_start3A_1286, %dma_start3A_1287] : memref<450000x128xf32, #tpu.memory_space<hbm>> -> memref<450000x128xf32, #tpu.memory_space<hbm>>
        tpu.enqueue_indirect_dma source(%dma_start3A_1288 : memref<450000x128xf32, #tpu.memory_space<hbm>>) target(%arg7 : memref<128x128xf32, #tpu.memory_space<vmem>>) offsets(%dma_start3A_1285 : memref<128xi32, #tpu.memory_space<vmem>>) semaphore(%arg8 : memref<!tpu.dma_semaphore, #tpu.memory_space<semaphore_mem>>) {add = true}
        %dma_start3A_1289 = arith.constant 7 : i32
        %dma_start3A_1290 = arith.constant 0 : i32
        %dma_start3A_1291 = tpu.memref_slice %arg6[%dma_start3A_1289, %dma_start3A_1290] : memref<9x128xi32, #tpu.memory_space<vmem>> -> memref<1x128xi32, #tpu.memory_space<vmem>>
        %dma_start3A_1292 = tpu.memref_squeeze %dma_start3A_1291 : memref<1x128xi32, #tpu.memory_space<vmem>> -> memref<128xi32, #tpu.memory_space<vmem>>
        %dma_start3A_1293 = arith.constant 0 : i32
        %dma_start3A_1294 = arith.constant 0 : i32
        %dma_start3A_1295 = tpu.memref_slice %arg2[%dma_start3A_1293, %dma_start3A_1294] : memref<450000x128xf32, #tpu.memory_space<hbm>> -> memref<450000x128xf32, #tpu.memory_space<hbm>>
        tpu.enqueue_indirect_dma source(%dma_start3A_1295 : memref<450000x128xf32, #tpu.memory_space<hbm>>) target(%arg7 : memref<128x128xf32, #tpu.memory_space<vmem>>) offsets(%dma_start3A_1292 : memref<128xi32, #tpu.memory_space<vmem>>) semaphore(%arg8 : memref<!tpu.dma_semaphore, #tpu.memory_space<semaphore_mem>>) {add = true}
        %dma_start3A_1296 = arith.constant 8 : i32
        %dma_start3A_1297 = arith.constant 0 : i32
        %dma_start3A_1298 = tpu.memref_slice %arg6[%dma_start3A_1296, %dma_start3A_1297] : memref<9x128xi32, #tpu.memory_space<vmem>> -> memref<1x128xi32, #tpu.memory_space<vmem>>
        %dma_start3A_1299 = tpu.memref_squeeze %dma_start3A_1298 : memref<1x128xi32, #tpu.memory_space<vmem>> -> memref<128xi32, #tpu.memory_space<vmem>>
        %dma_start3A_1300 = arith.constant 0 : i32
        %dma_start3A_1301 = arith.constant 0 : i32
        %dma_start3A_1302 = tpu.memref_slice %arg2[%dma_start3A_1300, %dma_start3A_1301] : memref<450000x128xf32, #tpu.memory_space<hbm>> -> memref<450000x128xf32, #tpu.memory_space<hbm>>
        tpu.enqueue_indirect_dma source(%dma_start3A_1302 : memref<450000x128xf32, #tpu.memory_space<hbm>>) target(%arg7 : memref<128x128xf32, #tpu.memory_space<vmem>>) offsets(%dma_start3A_1299 : memref<128xi32, #tpu.memory_space<vmem>>) semaphore(%arg8 : memref<!tpu.dma_semaphore, #tpu.memory_space<semaphore_mem>>) {add = true}
        %dma_wait3A = arith.constant 0 : i32
        %dma_wait3A_1303 = arith.constant 0 : i32
        %dma_wait3A_1304 = tpu.memref_slice %arg6[%dma_wait3A, %dma_wait3A_1303] : memref<9x128xi32, #tpu.memory_space<vmem>> -> memref<1x128xi32, #tpu.memory_space<vmem>>
        %dma_wait3A_1305 = tpu.memref_squeeze %dma_wait3A_1304 : memref<1x128xi32, #tpu.memory_space<vmem>> -> memref<128xi32, #tpu.memory_space<vmem>>
        %dma_wait3A_1306 = arith.constant 0 : i32
        %dma_wait3A_1307 = arith.constant 0 : i32
        %dma_wait3A_1308 = tpu.memref_slice %arg2[%dma_wait3A_1306, %dma_wait3A_1307] : memref<450000x128xf32, #tpu.memory_space<hbm>> -> memref<450000x128xf32, #tpu.memory_space<hbm>>
        tpu.wait_indirect_dma semaphore(%arg8 : memref<!tpu.dma_semaphore, #tpu.memory_space<semaphore_mem>>) src(%dma_wait3A_1308 : memref<450000x128xf32, #tpu.memory_space<hbm>>) dst(%arg7 : memref<128x128xf32, #tpu.memory_space<vmem>>)
        %dma_wait3A_1309 = arith.constant 1 : i32
        %dma_wait3A_1310 = arith.constant 0 : i32
        %dma_wait3A_1311 = tpu.memref_slice %arg6[%dma_wait3A_1309, %dma_wait3A_1310] : memref<9x128xi32, #tpu.memory_space<vmem>> -> memref<1x128xi32, #tpu.memory_space<vmem>>
        %dma_wait3A_1312 = tpu.memref_squeeze %dma_wait3A_1311 : memref<1x128xi32, #tpu.memory_space<vmem>> -> memref<128xi32, #tpu.memory_space<vmem>>
        %dma_wait3A_1313 = arith.constant 0 : i32
        %dma_wait3A_1314 = arith.constant 0 : i32
        %dma_wait3A_1315 = tpu.memref_slice %arg2[%dma_wait3A_1313, %dma_wait3A_1314] : memref<450000x128xf32, #tpu.memory_space<hbm>> -> memref<450000x128xf32, #tpu.memory_space<hbm>>
        tpu.wait_indirect_dma semaphore(%arg8 : memref<!tpu.dma_semaphore, #tpu.memory_space<semaphore_mem>>) src(%dma_wait3A_1315 : memref<450000x128xf32, #tpu.memory_space<hbm>>) dst(%arg7 : memref<128x128xf32, #tpu.memory_space<vmem>>)
        %dma_wait3A_1316 = arith.constant 2 : i32
        %dma_wait3A_1317 = arith.constant 0 : i32
        %dma_wait3A_1318 = tpu.memref_slice %arg6[%dma_wait3A_1316, %dma_wait3A_1317] : memref<9x128xi32, #tpu.memory_space<vmem>> -> memref<1x128xi32, #tpu.memory_space<vmem>>
        %dma_wait3A_1319 = tpu.memref_squeeze %dma_wait3A_1318 : memref<1x128xi32, #tpu.memory_space<vmem>> -> memref<128xi32, #tpu.memory_space<vmem>>
        %dma_wait3A_1320 = arith.constant 0 : i32
        %dma_wait3A_1321 = arith.constant 0 : i32
        %dma_wait3A_1322 = tpu.memref_slice %arg2[%dma_wait3A_1320, %dma_wait3A_1321] : memref<450000x128xf32, #tpu.memory_space<hbm>> -> memref<450000x128xf32, #tpu.memory_space<hbm>>
        tpu.wait_indirect_dma semaphore(%arg8 : memref<!tpu.dma_semaphore, #tpu.memory_space<semaphore_mem>>) src(%dma_wait3A_1322 : memref<450000x128xf32, #tpu.memory_space<hbm>>) dst(%arg7 : memref<128x128xf32, #tpu.memory_space<vmem>>)
        %dma_wait3A_1323 = arith.constant 3 : i32
        %dma_wait3A_1324 = arith.constant 0 : i32
        %dma_wait3A_1325 = tpu.memref_slice %arg6[%dma_wait3A_1323, %dma_wait3A_1324] : memref<9x128xi32, #tpu.memory_space<vmem>> -> memref<1x128xi32, #tpu.memory_space<vmem>>
        %dma_wait3A_1326 = tpu.memref_squeeze %dma_wait3A_1325 : memref<1x128xi32, #tpu.memory_space<vmem>> -> memref<128xi32, #tpu.memory_space<vmem>>
        %dma_wait3A_1327 = arith.constant 0 : i32
        %dma_wait3A_1328 = arith.constant 0 : i32
        %dma_wait3A_1329 = tpu.memref_slice %arg2[%dma_wait3A_1327, %dma_wait3A_1328] : memref<450000x128xf32, #tpu.memory_space<hbm>> -> memref<450000x128xf32, #tpu.memory_space<hbm>>
        tpu.wait_indirect_dma semaphore(%arg8 : memref<!tpu.dma_semaphore, #tpu.memory_space<semaphore_mem>>) src(%dma_wait3A_1329 : memref<450000x128xf32, #tpu.memory_space<hbm>>) dst(%arg7 : memref<128x128xf32, #tpu.memory_space<vmem>>)
        %dma_wait3A_1330 = arith.constant 4 : i32
        %dma_wait3A_1331 = arith.constant 0 : i32
        %dma_wait3A_1332 = tpu.memref_slice %arg6[%dma_wait3A_1330, %dma_wait3A_1331] : memref<9x128xi32, #tpu.memory_space<vmem>> -> memref<1x128xi32, #tpu.memory_space<vmem>>
        %dma_wait3A_1333 = tpu.memref_squeeze %dma_wait3A_1332 : memref<1x128xi32, #tpu.memory_space<vmem>> -> memref<128xi32, #tpu.memory_space<vmem>>
        %dma_wait3A_1334 = arith.constant 0 : i32
        %dma_wait3A_1335 = arith.constant 0 : i32
        %dma_wait3A_1336 = tpu.memref_slice %arg2[%dma_wait3A_1334, %dma_wait3A_1335] : memref<450000x128xf32, #tpu.memory_space<hbm>> -> memref<450000x128xf32, #tpu.memory_space<hbm>>
        tpu.wait_indirect_dma semaphore(%arg8 : memref<!tpu.dma_semaphore, #tpu.memory_space<semaphore_mem>>) src(%dma_wait3A_1336 : memref<450000x128xf32, #tpu.memory_space<hbm>>) dst(%arg7 : memref<128x128xf32, #tpu.memory_space<vmem>>)
        %dma_wait3A_1337 = arith.constant 5 : i32
        %dma_wait3A_1338 = arith.constant 0 : i32
        %dma_wait3A_1339 = tpu.memref_slice %arg6[%dma_wait3A_1337, %dma_wait3A_1338] : memref<9x128xi32, #tpu.memory_space<vmem>> -> memref<1x128xi32, #tpu.memory_space<vmem>>
        %dma_wait3A_1340 = tpu.memref_squeeze %dma_wait3A_1339 : memref<1x128xi32, #tpu.memory_space<vmem>> -> memref<128xi32, #tpu.memory_space<vmem>>
        %dma_wait3A_1341 = arith.constant 0 : i32
        %dma_wait3A_1342 = arith.constant 0 : i32
        %dma_wait3A_1343 = tpu.memref_slice %arg2[%dma_wait3A_1341, %dma_wait3A_1342] : memref<450000x128xf32, #tpu.memory_space<hbm>> -> memref<450000x128xf32, #tpu.memory_space<hbm>>
        tpu.wait_indirect_dma semaphore(%arg8 : memref<!tpu.dma_semaphore, #tpu.memory_space<semaphore_mem>>) src(%dma_wait3A_1343 : memref<450000x128xf32, #tpu.memory_space<hbm>>) dst(%arg7 : memref<128x128xf32, #tpu.memory_space<vmem>>)
        %dma_wait3A_1344 = arith.constant 6 : i32
        %dma_wait3A_1345 = arith.constant 0 : i32
        %dma_wait3A_1346 = tpu.memref_slice %arg6[%dma_wait3A_1344, %dma_wait3A_1345] : memref<9x128xi32, #tpu.memory_space<vmem>> -> memref<1x128xi32, #tpu.memory_space<vmem>>
        %dma_wait3A_1347 = tpu.memref_squeeze %dma_wait3A_1346 : memref<1x128xi32, #tpu.memory_space<vmem>> -> memref<128xi32, #tpu.memory_space<vmem>>
        %dma_wait3A_1348 = arith.constant 0 : i32
        %dma_wait3A_1349 = arith.constant 0 : i32
        %dma_wait3A_1350 = tpu.memref_slice %arg2[%dma_wait3A_1348, %dma_wait3A_1349] : memref<450000x128xf32, #tpu.memory_space<hbm>> -> memref<450000x128xf32, #tpu.memory_space<hbm>>
        tpu.wait_indirect_dma semaphore(%arg8 : memref<!tpu.dma_semaphore, #tpu.memory_space<semaphore_mem>>) src(%dma_wait3A_1350 : memref<450000x128xf32, #tpu.memory_space<hbm>>) dst(%arg7 : memref<128x128xf32, #tpu.memory_space<vmem>>)
        %dma_wait3A_1351 = arith.constant 7 : i32
        %dma_wait3A_1352 = arith.constant 0 : i32
        %dma_wait3A_1353 = tpu.memref_slice %arg6[%dma_wait3A_1351, %dma_wait3A_1352] : memref<9x128xi32, #tpu.memory_space<vmem>> -> memref<1x128xi32, #tpu.memory_space<vmem>>
        %dma_wait3A_1354 = tpu.memref_squeeze %dma_wait3A_1353 : memref<1x128xi32, #tpu.memory_space<vmem>> -> memref<128xi32, #tpu.memory_space<vmem>>
        %dma_wait3A_1355 = arith.constant 0 : i32
        %dma_wait3A_1356 = arith.constant 0 : i32
        %dma_wait3A_1357 = tpu.memref_slice %arg2[%dma_wait3A_1355, %dma_wait3A_1356] : memref<450000x128xf32, #tpu.memory_space<hbm>> -> memref<450000x128xf32, #tpu.memory_space<hbm>>
        tpu.wait_indirect_dma semaphore(%arg8 : memref<!tpu.dma_semaphore, #tpu.memory_space<semaphore_mem>>) src(%dma_wait3A_1357 : memref<450000x128xf32, #tpu.memory_space<hbm>>) dst(%arg7 : memref<128x128xf32, #tpu.memory_space<vmem>>)
        %dma_wait3A_1358 = arith.constant 8 : i32
        %dma_wait3A_1359 = arith.constant 0 : i32
        %dma_wait3A_1360 = tpu.memref_slice %arg6[%dma_wait3A_1358, %dma_wait3A_1359] : memref<9x128xi32, #tpu.memory_space<vmem>> -> memref<1x128xi32, #tpu.memory_space<vmem>>
        %dma_wait3A_1361 = tpu.memref_squeeze %dma_wait3A_1360 : memref<1x128xi32, #tpu.memory_space<vmem>> -> memref<128xi32, #tpu.memory_space<vmem>>
        %dma_wait3A_1362 = arith.constant 0 : i32
        %dma_wait3A_1363 = arith.constant 0 : i32
        %dma_wait3A_1364 = tpu.memref_slice %arg2[%dma_wait3A_1362, %dma_wait3A_1363] : memref<450000x128xf32, #tpu.memory_space<hbm>> -> memref<450000x128xf32, #tpu.memory_space<hbm>>
        tpu.wait_indirect_dma semaphore(%arg8 : memref<!tpu.dma_semaphore, #tpu.memory_space<semaphore_mem>>) src(%dma_wait3A_1364 : memref<450000x128xf32, #tpu.memory_space<hbm>>) dst(%arg7 : memref<128x128xf32, #tpu.memory_space<vmem>>)
        %mul3A_1365 = arith.constant 128 : i32
        %mul3A_1366 = arith.muli %add3A_10, %mul3A_1365 : i32
        "tpu.region"() ({
          %run_scoped3A = tpu.sem_alloc : memref<!tpu.dma_semaphore, #tpu.memory_space<semaphore_mem>>
          %dma_start3A_1367 = arith.constant 0 : i32
          %dma_start3A_1368 = tpu.memref_slice %arg4[%mul3A_1366, %dma_start3A_1367] : memref<50048x128xf32, #tpu.memory_space<hbm>> -> memref<128x128xf32, #tpu.memory_space<hbm>>
          %dma_start3A_1369 = arith.constant 0 : i32
          %dma_start3A_1370 = tpu.memref_slice %arg4[%mul3A_1366, %dma_start3A_1369] : memref<50048x128xf32, #tpu.memory_space<hbm>> -> memref<128x128xf32, #tpu.memory_space<hbm>>
          tpu.enqueue_dma source(%arg7 : memref<128x128xf32, #tpu.memory_space<vmem>>) target(%dma_start3A_1370 : memref<128x128xf32, #tpu.memory_space<hbm>>) target_semaphore(%run_scoped3A : memref<!tpu.dma_semaphore, #tpu.memory_space<semaphore_mem>>)
          %dma_wait3A_1371 = arith.constant 0 : i32
          %dma_wait3A_1372 = tpu.memref_slice %arg4[%mul3A_1366, %dma_wait3A_1371] : memref<50048x128xf32, #tpu.memory_space<hbm>> -> memref<128x128xf32, #tpu.memory_space<hbm>>
          %dma_wait3A_1373 = arith.constant 0 : i32
          %dma_wait3A_1374 = tpu.memref_slice %arg4[%mul3A_1366, %dma_wait3A_1373] : memref<50048x128xf32, #tpu.memory_space<hbm>> -> memref<128x128xf32, #tpu.memory_space<hbm>>
          tpu.wait_dma2 semaphore(%run_scoped3A : memref<!tpu.dma_semaphore, #tpu.memory_space<semaphore_mem>>) src(%arg7 : memref<128x128xf32, #tpu.memory_space<vmem>>) dst(%dma_wait3A_1374 : memref<128x128xf32, #tpu.memory_space<hbm>>)
          tpu.yield
        }) : () -> ()
      } else {
      }
    }
    %scan3A_6 = arith.constant 13 : i32
    return
  }
}

module attributes {stable_mosaic.version = 14 : i64} {
  func.func @body(%arg0: i32, %arg1: memref<1000x128xf32, #tpu.memory_space<vmem>>, %arg2: memref<128x1152xf32, #tpu.memory_space<vmem>>, %arg3: memref<1x1152xf32, #tpu.memory_space<vmem>>, %arg4: memref<1000x1152xf32, #tpu.memory_space<vmem>>) attributes {dimension_semantics = [#tpu.dimension_semantics<arbitrary>], iteration_bounds = array<i64: 50>, scalar_prefetch = 0 : i64, scratch_operands = 0 : i64, tpu.core_type = #tpu.core_type<tc>, window_params = [{transform_indices = @transform_0, window_bounds = array<i64: 1000, 128>}, {pipeline_mode = #tpu.pipeline_mode<synchronous>, transform_indices = @transform_1, window_bounds = array<i64: 128, 1152>}, {pipeline_mode = #tpu.pipeline_mode<synchronous>, transform_indices = @transform_2, window_bounds = array<i64: 1, 1152>}, {transform_indices = @transform_3, window_bounds = array<i64: 1000, 1152>}]} {
    %get3A = arith.constant 0 : index
    %get3A_0 = arith.constant 0 : index
    %get3A_1 = vector.load %arg1[%get3A, %get3A_0] : memref<1000x128xf32, #tpu.memory_space<vmem>>, vector<1000x128xf32>
    %get3A_2 = arith.constant 0 : index
    %get3A_3 = arith.constant 0 : index
    %get3A_4 = vector.load %arg2[%get3A_2, %get3A_3] : memref<128x1152xf32, #tpu.memory_space<vmem>>, vector<128x1152xf32>
    %dot_general3A = arith.constant dense<0.000000e+00> : vector<1000x1152xf32>
    %dot_general3A_5 = tpu.matmul %get3A_1, %get3A_4, %dot_general3A {dimension_numbers = #tpu.dot_dimension_numbers<[1], [0], [0], [1], [0, 0, 1, 1], [], []>, transpose_lhs_hint = false} : vector<1000x128xf32>, vector<128x1152xf32>, vector<1000x1152xf32> -> vector<1000x1152xf32>
    %get3A_6 = arith.constant 0 : index
    %get3A_7 = arith.constant 0 : index
    %get3A_8 = vector.load %arg3[%get3A_6, %get3A_7] : memref<1x1152xf32, #tpu.memory_space<vmem>>, vector<1x1152xf32>
    %add3A = vector.broadcast %get3A_8 : vector<1x1152xf32> to vector<1000x1152xf32>
    %add3A_9 = arith.addf %dot_general3A_5, %add3A : vector<1000x1152xf32>
    %swap3A = arith.constant 0 : index
    %swap3A_10 = arith.constant 0 : index
    %swap3A_11 = vector.load %arg4[%swap3A, %swap3A_10] : memref<1000x1152xf32, #tpu.memory_space<vmem>>, vector<1000x1152xf32>
    tpu.vector_store %arg4[%swap3A, %swap3A_10], %add3A_9 {strides = array<i32>} : memref<1000x1152xf32, #tpu.memory_space<vmem>>, vector<1000x1152xf32>,
    return
  }
  func.func @transform_0(%arg0: i32) -> (i32, i32) {
    %c0_i32 = arith.constant 0 : i32
    %c0_i32_0 = arith.constant 0 : i32
    return %arg0, %c0_i32 : i32, i32
  }
  func.func @transform_1(%arg0: i32) -> (i32, i32) {
    %c0_i32 = arith.constant 0 : i32
    %c0_i32_0 = arith.constant 0 : i32
    %c0_i32_1 = arith.constant 0 : i32
    return %c0_i32, %c0_i32_0 : i32, i32
  }
  func.func @transform_2(%arg0: i32) -> (i32, i32) {
    %c0_i32 = arith.constant 0 : i32
    %c0_i32_0 = arith.constant 0 : i32
    %c0_i32_1 = arith.constant 0 : i32
    return %c0_i32, %c0_i32_0 : i32, i32
  }
  func.func @transform_3(%arg0: i32) -> (i32, i32) {
    %c0_i32 = arith.constant 0 : i32
    %c0_i32_0 = arith.constant 0 : i32
    return %arg0, %c0_i32 : i32, i32
  }
}

</mosaic_0001>

<sc_bundles>
// kernel: kernel.4.cloned.1.call-start
scs
__scs_entry_jumppad:
0x0: {  	(pc) =	sbr.rel $0x88, $3  }
0x1: {  	(tag) =	ssettag $0x0;
	lr =	simm.s32 $0x1  }
0x2: {  	[smem:$0x3F9D] =	sst lr;
	_ =	strace $0xD0000000  }
0x3: {  	_ = 	snop  }
0x4: {  	_ = 	snop  }
0x5: {  	_ = 	snop  }
0x6: {  	_ = 	snop  }
0x7: {  	_ = 	snop  }
__scs_overlays_trampoline_lowered:
0x8: {  	[smem:$0x3FAC] =	sst s0  }
0x9: {  	[smem:$0x3FAD] =	sst s1  }
0xa: {  	[smem:$0x3FAE] =	sst s2  }
0xb: {  	[smem:$0x3FAF] =	sst s3  }
0xc: {  	[smem:$0x3FB0] =	sst s4  }
0xd: {  	[smem:$0x3FB1] =	sst s5  }
0xe: {  	[smem:$0x3FB2] =	sst s6  }
0xf: {  	[smem:$0x3FB3] =	sst s7  }
0x10: {  	[smem:$0x3FB4] =	sst s8  }
0x11: {  	[smem:$0x3FB5] =	sst s9;
	s0 =	simm.s32 @!p0 $0x0  }
0x12: {  	s1 =	sld [smem:$0x3F9B];
	s0 =	simm.s32 @p0 $0x1  }
0x13: {  	[smem:$0x3FB6] =	sst s0;
	s0 =	simm.s32 @!p1 $0x0  }
0x14: {  	s2 =	sld [smem:$0x3F9A];
	s0 =	simm.s32 @p1 $0x1  }
0x15: {  	[smem:$0x3FB7] =	sst s0;
	s0 =	simm.s32 @!p2 $0x0  }
0x16: {  	s3 =	sld [smem:$0x3FDB];
	s0 =	simm.s32 @p2 $0x1  }
0x17: {  	s4 =	simm.s32 $0x1BF5;
	[smem:$0x3FB9] =	sst s0  }
0x18: {  	s0 =	sld [smem:$0x3F9C];
	_ =	swait.ge [sflag:s4], $0x0  }
0x19: {  	s7 =	sld [smem:$0x3F9D]  }
0x1a: {  	s8 =	sadd.s32 $0xFFFFE003, lr  }
0x1b: {  	s9 =	sadd.s32 $0xFFFFFEF7, lr;
	s5 =	simm.s32 $0xFFFFFFFF;
	p2 =	slt.u32 s8, $0xFFFFF086  }
0x1c: {  	p1 =	slt.u32 s9, $0xF7A;
	s5 =	simm.s32 @!p2 $0x0  }
0x1d: {  	s5 =	simm.s32 @p1 $0x1;
	p0 =	seq.s32 s7, s2  }
0x1e: {  	s7 =	smul.u32 @!p0 $0xF7A, s2;
	p2 =	seq.s32 @!p0 s5, $0x0  }
0x1f: {  	s9 =	smul.u32 $0xF7A, s1;
	s8 =	simm.s32 @!p0 $0x1BF5;
	p2 =	por !p2, p0  }
0x20: {  	[sflag:s8] =	ssyncset.s32 @!p0 $0xFFFFF086;
	s6 =	sadd.s32 @!p0 s3, s7;
	s7 =	simm.s32 @!p0 $0x108  }
0x21: {  	s3 =	sadd.s32 s3, s9;
	s6 =	sadd.s32 @!p0 $0x88, s6;
	s7 =	simm.s32 @p2 $0x1082  }
0x22: {  	[simem:s7], [sflag:s8] =	dma.local @!p0 [hbm:s6], $0xF7A  }
0x23: {  	s9 =	sor.u32 $0xD0000000, s2;
	s6 =	simm.s32 $0x108;
	_ =	swait.ge @!p0 [sflag:s8], $0x0  }
0x24: {  	s3 =	sadd.s32 $0x88, s3;
	s6 =	simm.s32 @!p1 $0x1082;
	[sflag:s4] =	ssyncset.s32 $0xFFFFF086  }
0x25: {  	[simem:s6], [sflag:s4] =	dma.local [hbm:s3], $0xF7A  }
0x26: {  	[smem:$0x3F9D] =	sst s1;
	(tag) =	ssettag s2;
	_ =	strace s9  }
0x27: {  	s1 =	sld [smem:$0x3FAD]  }
0x28: {  	s2 =	sld [smem:$0x3FAE]  }
0x29: {  	s4 =	sld [smem:$0x3FB0]  }
0x2a: {  	p0 =	seq.s32 s5, $0x0;
	s5 =	sld [smem:$0x3FB1]  }
0x2b: {  	s6 =	sld [smem:$0x3FB2]  }
0x2c: {  	s7 =	sld [smem:$0x3FB3]  }
0x2d: {  	s3 =	simm.s32 $0x108;
	s8 =	sld [smem:$0x3FB4]  }
0x2e: {  	s3 =	simm.s32 @!p0 $0x1082;
	s9 =	sld [smem:$0x3FB5]  }
0x2f: {  	lr =	sadd.s32 s0, s3;
	s0 =	sld [smem:$0x3FAC]  }
0x30: {  	s3 =	sld [smem:$0x3FAF]  }
0x31: {  	[smem:$0x3FB8] =	sst s10  }
0x32: {  	s10 =	sld [smem:$0x3FB6];
	_ =	sdelay $0x3  }
0x33: {  	p0 =	seq.s32 s10, $0x1;
	s10 =	sld [smem:$0x3FB8];
	_ =	sdelay $0x3  }
0x34: {  	[smem:$0x3FB8] =	sst s10  }
0x35: {  	s10 =	sld [smem:$0x3FB7];
	_ =	sdelay $0x3  }
0x36: {  	p1 =	seq.s32 s10, $0x1;
	s10 =	sld [smem:$0x3FB8];
	_ =	sdelay $0x3  }
0x37: {  	[smem:$0x3FB8] =	sst s10  }
0x38: {  	s10 =	sld [smem:$0x3FB9]  }
0x39: {  	_ = 	snop;
	(pc) =	sbr.ind lr, $3  }
0x3a: {  	_ = 	snop  }
0x3b: {  	_ = 	snop  }
0x3c: {  	p2 =	seq.s32 s10, $0x1;
	s10 =	sld [smem:$0x3FB8]  }
0x3d: {  	_ =	shalt  }
0x3e: {  	_ =	shalt  }
0x3f: {  	_ =	shalt  }
0x40: {  	_ =	shalt  }
0x41: {  	_ =	shalt  }
0x42: {  	_ =	shalt  }
0x43: {  	_ =	shalt  }
0x44: {  	_ =	shalt  }
0x45: {  	_ =	shalt  }
0x46: {  	_ =	shalt  }
0x47: {  	_ =	shalt  }
0x48: {  	_ =	shalt  }
0x49: {  	_ =	shalt  }
0x4a: {  	_ =	shalt  }
0x4b: {  	_ =	shalt  }
0x4c: {  	_ =	shalt  }
0x4d: {  	_ =	shalt  }
0x4e: {  	_ =	shalt  }
0x4f: {  	_ =	shalt  }
0x50: {  	_ =	shalt  }
0x51: {  	_ =	shalt  }
0x52: {  	_ =	shalt  }
0x53: {  	_ =	shalt  }
0x54: {  	_ =	shalt  }
0x55: {  	_ =	shalt  }
0x56: {  	_ =	shalt  }
0x57: {  	_ =	shalt  }
0x58: {  	_ =	shalt  }
0x59: {  	_ =	shalt  }
0x5a: {  	_ =	shalt  }
0x5b: {  	_ =	shalt  }
0x5c: {  	_ =	shalt  }
0x5d: {  	_ =	shalt  }
0x5e: {  	_ =	shalt  }
0x5f: {  	_ =	shalt  }
0x60: {  	_ =	shalt  }
0x61: {  	_ =	shalt  }
0x62: {  	_ =	shalt  }
0x63: {  	_ =	shalt  }
0x64: {  	_ =	shalt  }
0x65: {  	_ =	shalt  }
0x66: {  	_ =	shalt  }
0x67: {  	_ =	shalt  }
0x68: {  	_ =	shalt  }
0x69: {  	_ =	shalt  }
0x6a: {  	_ =	shalt  }
0x6b: {  	_ =	shalt  }
0x6c: {  	_ =	shalt  }
0x6d: {  	_ =	shalt  }
0x6e: {  	_ =	shalt  }
0x6f: {  	_ =	shalt  }
0x70: {  	_ =	shalt  }
0x71: {  	_ =	shalt  }
0x72: {  	_ =	shalt  }
0x73: {  	_ =	shalt  }
0x74: {  	_ =	shalt  }
0x75: {  	_ =	shalt  }
0x76: {  	_ =	shalt  }
0x77: {  	_ =	shalt  }
0x78: {  	_ =	shalt  }
0x79: {  	_ =	shalt  }
0x7a: {  	_ =	shalt  }
0x7b: {  	_ =	shalt  }
0x7c: {  	_ =	shalt  }
0x7d: {  	_ =	shalt  }
0x7e: {  	_ =	shalt  }
0x7f: {  	_ =	shalt  }
0x80: {  	_ =	shalt  }
0x81: {  	_ =	shalt  }
0x82: {  	_ =	shalt  }
0x83: {  	_ =	shalt  }
0x84: {  	_ =	shalt  }
0x85: {  	_ =	shalt  }
0x86: {  	_ =	shalt  }
0x87: {  	_ =	shalt  }
.Lfunc_end0:
.L_simem_size_0:
called_computation_lowered:
.L_overlay_start_0:
0x88: {  	s2 =	sld [smem:$0x3FD9]  }
0x89: {  	s3 =	sld [smem:$0x3FFE];
	_ =	sdelay $0x1  }
0x8a: {  	s1 =	srdreg.scid  }
0x8b: {  	s0 =	sand.u32 $0x1, s1  }
0x8c: {  	s17 =	sshll.u32 s0, $0xA;
	s2 =	sadd.s32 s3, s2  }
0x8d: {  	s2 =	sadd.s32 s2, s17  }
0x8e: {  	[smem:$0x3FC4] =	sst s2  }
0x8f: {  	_ = 	snop  }
0x90: {  	s2 =	sld [smem:$0x3FD0];
	(tm) =	ssettm $0x1  }
0x91: {  	s18 =	sld [smem:$0x3FFB];
	_ =	sdelay $0x3  }
0x92: {  	_ =	strace s18  }
0x93: {  	s3 =	sld [smem:$0x3FFC];
	_ =	sdelay $0x3  }
0x94: {  	_ =	strace s3  }
0x95: {  	s3 =	sld [smem:$0x3FFD];
	_ =	sdelay $0x3  }
0x96: {  	_ =	strace s3  }
0x97: {  	_ =	strace $0x8FFFFFFF  }
0x98: {  	s19 =	sld [smem:$0x3FDB];
	_ =	sdelay $0x1  }
0x99: {  	s4 =	simm.s32 $_scs_section_size  }
0x9a: {  	s5 =	simm.s32 $_size__tile_overlayer_lowered;
	s6 =	simm.s32 $_tile_overlayer_lowered  }
0x9b: {  	s22 =	simm.s32 $0x1BFF;
	s21 =	sshll.u32 s6, $0x1;
	s3 =	sadd.s32 s4, s19  }
0x9c: {  	s7 =	simm.s32 $0x0;
	s20 =	sshll.u32 s5, $0x1;
	s5 =	sadd.s32 s21, s3  }
0x9d: {  	[timem:s7], [sflag:s22] =	dma.local [hbm:s5], s20  }
0x9e: {  	_ =	swait.ge [sflag:s22], s20  }
0x9f: {  	s4 =	ssub.s32 $0x0, s20;
	[sflag:s22] =	ssyncset.done $0x0  }
0xa0: {  	[sflag:s22] =	ssyncadd.s32 s4;
	_ =	sdelay $0x1  }
0xa1: {  	s23 =	simm.s32 $0x1B8B  }
0xa2: {  	_ =	swait.ge [sflag:s23], $0x1  }
0xa3: {  	[sflag:s23] =	ssyncset.done $0x0  }
0xa4: {  	s25 =	simm.s32 $0x1B8E;
	s24 =	sld [smem:$0x3FFE];
	[sflag:s23] =	ssyncadd.s32 $0xFFFFFFFF  }
0xa5: {  	s26 =	simm.s32 $execute0_lowered;
	[smem:$0x3FD2] =	sst s25  }
0xa6: {  	s5 =	sshll.u32 s26, $0x1;
	_ =	strace $0x80000046;
	[dreg:$0x1] =	wrdreg $0xFFFFFFFF  }
0xa7: {  	s28 =	simm.s32 $_size_execute0_lowered;
	s3 =	sadd.s32 s3, s5;
	[dreg:$0x0] =	wrdreg $0x0  }
0xa8: {  	s5 =	sshll.u32 s28, $0x1;
	[dreg:$0x2] =	wrdreg s3  }
0xa9: {  	[dreg:$0x3] =	wrdreg s5  }
0xaa: {  	[dreg:$0x4] =	wrdreg $0xC0  }
0xab: {  	_ =	task [dreg:s7], $0x5FFFF  }
0xac: {  	[dreg:$0x1] =	wrdreg $0xFFFFFFFF  }
0xad: {  	[dreg:$0x0] =	wrdreg $0x60  }
0xae: {  	[dreg:$0x2] =	wrdreg s24  }
0xaf: {  	[dreg:$0x3] =	wrdreg s2  }
0xb0: {  	[dreg:$0x4] =	wrdreg $0x9  }
0xb1: {  	_ =	task.clear_ibuf [dreg:s7], $0x5FFFF;
	_ =	strace $0x90000046  }
0xb2: {  	s29 =	simm.s32 $0x9;
	_ =	strace $0x80000048  }
0xb3: {  	_ =	swait.ge [sflag:s29], $0x1  }
0xb4: {  	[sflag:s29] =	ssyncadd.s32 $0xFFFFFFFF  }
0xb5: {  	_ =	strace $0x90000048  }
0xb6: {  	_ =	sfence  }
0xb7: {  	s30 =	sld [smem:$0x0];
	_ =	sdelay $0x2  }
0xb8: {  	s31 =	sshll.u32 s1, $0xD;
	s1 =	sshrl.u32 s1, $0x2  }
0xb9: {  	s3 =	sand.u32 $0x4000, s31;
	s1 =	sadd.s32 s1, s30  }
0xba: {  	s0 =	sor.u32 s3, s0;
	s1 =	sshll.u32 s1, $0x11  }
0xbb: {  	s0 =	sor.u32 s1, s0  }
0xbc: {  	s0 =	sadd.s32 $0x8F2B, s0  }
0xbd: {  	[sflag:s0] =	ssyncadd.remote.s32 $0x1  }
0xbe: {  	_ =	sfence.sel $0xFFFF  }
0xbf: {  	[dreg:$0x0] =	wrdreg $0xFFFFFFFF;
	(pc) =	sbr.abs _section_cstart, $3  }
0xc0: {  	[dreg:$0x1] =	wrdreg $0xFFFFFFFF  }
0xc1: {  	_ =	task.clear_ibuf [dreg:s7], $0x2FFFF;
	_ =	strace $0x9FFFFFFF  }
0xc2: {  	(tm) =	ssettm $0x7FFFFFFF  }
0xc3: {  	_ =	shalt  }
tec
execute0_lowered:
.L_overlay_start_1:
0x0: {  	(tag) =	ssettag $0x1  }
0x1: {  	s6 =	rddreg [dreg:$0x0]  }
0x2: {  	s1 =	rddreg [dreg:$0x1]  }
0x3: {  	s3 =	srdreg.scid;
	s0 =	rddreg [dreg:$0x2];
	s2 =	simm.s32 $0x0  }
0x4: {  	s4 =	stileid.u32;
	s9 =	simm.s32 $0x3;
	s10 =	simm.s32 $0x80  }
0x5: {  	s11 =	simm.s32 $0x800;
	s12 =	simm.s32 $0x1000;
	s13 =	simm.s32 $0x880  }
0x6: {  	s14 =	simm.s32 $0x900;
	s15 =	simm.s32 $0x980;
	s16 =	simm.s32 $0xA00  }
0x7: {  	s17 =	simm.s32 $0xA80;
	s18 =	simm.s32 $0xB00;
	s19 =	simm.s32 $0xB80  }
.Ltmp0:
0x8: {  	s20 =	simm.s32 $0xC00;
	s3 =	sand.u32 $0x1, s3;
	(pc) =	sbr.rel .LBB2_1-.Ltmp0, $4  }
0x9: {  	s21 =	simm.s32 $0x1;
	s22 =	simm.s32 $0x2;
	s7 =	ssub.s32 $0x2, s3  }
0xa: {  	s23 =	simm.s32 $0x0;
	[smem:$0x7FF] =	sst s2;
	s8 =	sshrl.u32 s7, $0x1  }
0xb: {  	s5 =	sadd.s32 $0x6DE400, s6;
	s6 =	sadd.s32 $0x600, s6;
	s8 =	ssub.s32 s7, s8  }
0xc: {  	v0 =	vimm.f32 $0.0e+00;
	_ =	strace $0x80000047;
	s7 =	sshll.u32 s4, $0x1;
	s8 =	smax.u32 s8, $0x1  }
.LBB2_7:
0xd: {  	s23 =	sadd.s32 $0x1, s23  }
0xe: {  	p0 =	sne.s32 s23, s8  }
.Ltmp1:
0xf: {  	_ = 	snop;
	(pc) =	sbr.rel @!p0 .LBB2_8-.Ltmp1, $1  }
0x10: {  	_ =	sdelay $0x3  }
.LBB2_1:
.Ltmp2:
0x11: {  	(pc) =	sbr.rel .LBB2_2-.Ltmp2, $2  }
0x12: {  	_ =	sdelay $0x2  }
0x13: {  	s24 =	simm.s32 $0x0  }
.LBB2_6:
0x14: {  	s24 =	sadd.s32 $0x1, s24  }
0x15: {  	p0 =	sne.s32 s24, $0xD  }
.Ltmp3:
0x16: {  	_ = 	snop;
	(pc) =	sbr.rel @!p0 .LBB2_7-.Ltmp3, $1  }
0x17: {  	_ =	sdelay $0x3  }
.LBB2_2:
0x18: {  	s25 =	sshll.u32 s24, $0x5  }
0x19: {  	s25 =	sor.u32 s25, s7  }
0x1a: {  	s25 =	sor.u32 s3, s25  }
0x1b: {  	p0 =	sgt.u32 s25, $0x186  }
.Ltmp4:
0x1c: {  	_ = 	snop;
	(pc) =	sbr.rel @p0 .LBB2_6-.Ltmp4, $1  }
0x1d: {  	_ =	sdelay $0x3  }
0x1e: {  	s26 =	sshll.u32 s25, $0x8  }
0x1f: {  	s28 =	simm.s32 $0x0;
	s26 =	sadd.s32 s1, s26  }
0x20: {  	[tilespmem:s28], [sflag:$0x3] =	stream.linear.gather [hbm4b:s26+s28], $0x480, $0x38;
	[tilespmem:$0x5000] =	vst v63  }
0x21: {  	_ =	swait.ge [sflag:s9], $0x480  }
0x22: {  	[sflag:s9] =	ssyncset.done $0x0  }
0x23: {  	[sflag:s9] =	ssyncadd.s32 $0xFFFFFB80  }
0x24: {  	v1 =	vld [tilespmem:$0x0]  }
0x25: {  	v2 =	vld [tilespmem:$0x10]  }
0x26: {  	v3 =	vld [tilespmem:$0x20]  }
0x27: {  	v4 =	vld [tilespmem:$0x30]  }
0x28: {  	v5 =	vld [tilespmem:$0x40]  }
0x29: {  	v6 =	vld [tilespmem:$0x50]  }
0x2a: {  	v7 =	vld [tilespmem:$0x60];
	v1 =	vmul.u32 $0x9, v1  }
0x2b: {  	v8 =	vld [tilespmem:$0x70];
	v2 =	vmul.u32 $0x9, v2  }
0x2c: {  	[tilespmem:$0x800] =	vst v1;
	v1 =	vmul.u32 $0x9, v3;
	v3 =	vld [tilespmem:$0x80]  }
0x2d: {  	v53 =	vld [tilespmem:$0x90];
	[tilespmem:$0x810] =	vst v2;
	v2 =	vmul.u32 $0x9, v4  }
0x2e: {  	v54 =	vld [tilespmem:$0xA0];
	[tilespmem:$0x820] =	vst v1;
	v1 =	vmul.u32 $0x9, v5  }
0x2f: {  	v55 =	vld [tilespmem:$0xB0];
	[tilespmem:$0x830] =	vst v2;
	v2 =	vmul.u32 $0x9, v6  }
0x30: {  	v56 =	vld [tilespmem:$0xC0];
	[tilespmem:$0x840] =	vst v1;
	v1 =	vmul.u32 $0x9, v7  }
0x31: {  	v57 =	vld [tilespmem:$0xD0];
	[tilespmem:$0x850] =	vst v2;
	v2 =	vmul.u32 $0x9, v8;
	v3 =	vmul.u32 $0x9, v3  }
0x32: {  	v58 =	vld [tilespmem:$0xE0];
	[tilespmem:$0x860] =	vst v1;
	v1 =	vmul.u32 $0x9, v53  }
0x33: {  	v59 =	vld [tilespmem:$0xF0];
	[tilespmem:$0x870] =	vst v2;
	v2 =	vadd.s32 $0x1, v3;
	v3 =	vmul.u32 $0x9, v54  }
0x34: {  	v60 =	vld [tilespmem:$0x100];
	[tilespmem:$0x880] =	vst v2;
	v1 =	vadd.s32 $0x1, v1;
	v2 =	vmul.u32 $0x9, v55  }
0x35: {  	v61 =	vld [tilespmem:$0x110];
	[tilespmem:$0x890] =	vst v1;
	v1 =	vadd.s32 $0x1, v3;
	v3 =	vmul.u32 $0x9, v56  }
0x36: {  	v62 =	vld [tilespmem:$0x120];
	[tilespmem:$0x8A0] =	vst v1;
	v1 =	vadd.s32 $0x1, v2;
	v2 =	vmul.u32 $0x9, v57  }
0x37: {  	v63 =	vld [tilespmem:$0x130];
	[tilespmem:$0x8B0] =	vst v1;
	v1 =	vadd.s32 $0x1, v3;
	v3 =	vmul.u32 $0x9, v58  }
0x38: {  	v12 =	vld [tilespmem:$0x140];
	[tilespmem:$0x8C0] =	vst v1;
	v1 =	vadd.s32 $0x1, v2;
	v2 =	vmul.u32 $0x9, v59  }
0x39: {  	v13 =	vld [tilespmem:$0x150];
	[tilespmem:$0x8D0] =	vst v1;
	v1 =	vadd.s32 $0x1, v3;
	v3 =	vmul.u32 $0x9, v60  }
0x3a: {  	v14 =	vld [tilespmem:$0x160];
	[tilespmem:$0x8E0] =	vst v1;
	v1 =	vadd.s32 $0x1, v2;
	v2 =	vmul.u32 $0x9, v61  }
0x3b: {  	v15 =	vld [tilespmem:$0x170];
	[tilespmem:$0x8F0] =	vst v1;
	v1 =	vadd.s32 $0x2, v3;
	v3 =	vmul.u32 $0x9, v62  }
0x3c: {  	v16 =	vld [tilespmem:$0x180];
	[tilespmem:$0x900] =	vst v1;
	v1 =	vadd.s32 $0x2, v2;
	v2 =	vmul.u32 $0x9, v63  }
0x3d: {  	v17 =	vld [tilespmem:$0x190];
	[tilespmem:$0x910] =	vst v1;
	v1 =	vadd.s32 $0x2, v3;
	v3 =	vmul.u32 $0x9, v12  }
0x3e: {  	v18 =	vld [tilespmem:$0x1A0];
	[tilespmem:$0x920] =	vst v1;
	v1 =	vadd.s32 $0x2, v2;
	v2 =	vmul.u32 $0x9, v13  }
0x3f: {  	v19 =	vld [tilespmem:$0x1B0];
	[tilespmem:$0x930] =	vst v1;
	v1 =	vadd.s32 $0x2, v3;
	v3 =	vmul.u32 $0x9, v14  }
0x40: {  	v20 =	vld [tilespmem:$0x1C0];
	[tilespmem:$0x940] =	vst v1;
	v1 =	vadd.s32 $0x2, v2;
	v2 =	vmul.u32 $0x9, v15  }
0x41: {  	v21 =	vld [tilespmem:$0x1D0];
	[tilespmem:$0x950] =	vst v1;
	v1 =	vadd.s32 $0x2, v3;
	v3 =	vmul.u32 $0x9, v16  }
0x42: {  	v22 =	vld [tilespmem:$0x1E0];
	[tilespmem:$0x960] =	vst v1;
	v1 =	vadd.s32 $0x2, v2;
	v2 =	vmul.u32 $0x9, v17  }
0x43: {  	v23 =	vld [tilespmem:$0x1F0];
	[tilespmem:$0x970] =	vst v1;
	v1 =	vadd.s32 $0x3, v3;
	v3 =	vmul.u32 $0x9, v18  }
0x44: {  	v24 =	vld [tilespmem:$0x200];
	[tilespmem:$0x980] =	vst v1;
	v1 =	vadd.s32 $0x3, v2;
	v2 =	vmul.u32 $0x9, v19  }
0x45: {  	v25 =	vld [tilespmem:$0x210];
	[tilespmem:$0x990] =	vst v1;
	v1 =	vadd.s32 $0x3, v3;
	v3 =	vmul.u32 $0x9, v20  }
0x46: {  	v26 =	vld [tilespmem:$0x220];
	[tilespmem:$0x9A0] =	vst v1;
	v1 =	vadd.s32 $0x3, v2;
	v2 =	vmul.u32 $0x9, v21  }
0x47: {  	v27 =	vld [tilespmem:$0x230];
	[tilespmem:$0x9B0] =	vst v1;
	v1 =	vadd.s32 $0x3, v3;
	v3 =	vmul.u32 $0x9, v22  }
0x48: {  	v28 =	vld [tilespmem:$0x240];
	[tilespmem:$0x9C0] =	vst v1;
	v1 =	vadd.s32 $0x3, v2;
	v2 =	vmul.u32 $0x9, v23  }
0x49: {  	v29 =	vld [tilespmem:$0x250];
	[tilespmem:$0x9D0] =	vst v1;
	v1 =	vadd.s32 $0x3, v3;
	v3 =	vmul.u32 $0x9, v24  }
0x4a: {  	v30 =	vld [tilespmem:$0x260];
	[tilespmem:$0x9E0] =	vst v1;
	v1 =	vadd.s32 $0x3, v2;
	v2 =	vmul.u32 $0x9, v25  }
0x4b: {  	v31 =	vld [tilespmem:$0x270];
	[tilespmem:$0x9F0] =	vst v1;
	v1 =	vadd.s32 $0x4, v3;
	v3 =	vmul.u32 $0x9, v26  }
0x4c: {  	v32 =	vld [tilespmem:$0x280];
	[tilespmem:$0xA00] =	vst v1;
	v1 =	vadd.s32 $0x4, v2;
	v2 =	vmul.u32 $0x9, v27  }
0x4d: {  	v33 =	vld [tilespmem:$0x290];
	[tilespmem:$0xA10] =	vst v1;
	v1 =	vadd.s32 $0x4, v3;
	v3 =	vmul.u32 $0x9, v28  }
0x4e: {  	v34 =	vld [tilespmem:$0x2A0];
	[tilespmem:$0xA20] =	vst v1;
	v1 =	vadd.s32 $0x4, v2;
	v2 =	vmul.u32 $0x9, v29  }
0x4f: {  	v35 =	vld [tilespmem:$0x2B0];
	[tilespmem:$0xA30] =	vst v1;
	v1 =	vadd.s32 $0x4, v3;
	v3 =	vmul.u32 $0x9, v30  }
0x50: {  	v36 =	vld [tilespmem:$0x2C0];
	[tilespmem:$0xA40] =	vst v1;
	v1 =	vadd.s32 $0x4, v2;
	v2 =	vmul.u32 $0x9, v31  }
0x51: {  	v37 =	vld [tilespmem:$0x2D0];
	[tilespmem:$0xA50] =	vst v1;
	v1 =	vadd.s32 $0x4, v3;
	v3 =	vmul.u32 $0x9, v32  }
0x52: {  	v38 =	vld [tilespmem:$0x2E0];
	[tilespmem:$0xA60] =	vst v1;
	v1 =	vadd.s32 $0x4, v2;
	v2 =	vmul.u32 $0x9, v33  }
0x53: {  	v39 =	vld [tilespmem:$0x2F0];
	[tilespmem:$0xA70] =	vst v1;
	v1 =	vadd.s32 $0x5, v3;
	v3 =	vmul.u32 $0x9, v34  }
0x54: {  	v40 =	vld [tilespmem:$0x300];
	[tilespmem:$0xA80] =	vst v1;
	v1 =	vadd.s32 $0x5, v2;
	v2 =	vmul.u32 $0x9, v35  }
0x55: {  	v41 =	vld [tilespmem:$0x310];
	[tilespmem:$0xA90] =	vst v1;
	v1 =	vadd.s32 $0x5, v3;
	v3 =	vmul.u32 $0x9, v36  }
0x56: {  	v42 =	vld [tilespmem:$0x320];
	[tilespmem:$0xAA0] =	vst v1;
	v1 =	vadd.s32 $0x5, v2;
	v2 =	vmul.u32 $0x9, v37  }
0x57: {  	v43 =	vld [tilespmem:$0x330];
	[tilespmem:$0xAB0] =	vst v1;
	v1 =	vadd.s32 $0x5, v3;
	v3 =	vmul.u32 $0x9, v38  }
0x58: {  	v44 =	vld [tilespmem:$0x340];
	[tilespmem:$0xAC0] =	vst v1;
	v1 =	vadd.s32 $0x5, v2;
	v2 =	vmul.u32 $0x9, v39  }
0x59: {  	v45 =	vld [tilespmem:$0x350];
	[tilespmem:$0xAD0] =	vst v1;
	v1 =	vadd.s32 $0x5, v3;
	v3 =	vmul.u32 $0x9, v40  }
0x5a: {  	v46 =	vld [tilespmem:$0x360];
	[tilespmem:$0xAE0] =	vst v1;
	v1 =	vadd.s32 $0x5, v2;
	v2 =	vmul.u32 $0x9, v41  }
0x5b: {  	v47 =	vld [tilespmem:$0x370];
	[tilespmem:$0xAF0] =	vst v1;
	v1 =	vadd.s32 $0x6, v3;
	v3 =	vmul.u32 $0x9, v42  }
0x5c: {  	v48 =	vld [tilespmem:$0x380];
	[tilespmem:$0xB00] =	vst v1;
	v1 =	vadd.s32 $0x6, v2;
	v2 =	vmul.u32 $0x9, v43  }
0x5d: {  	v49 =	vld [tilespmem:$0x390];
	[tilespmem:$0xB10] =	vst v1;
	v1 =	vadd.s32 $0x6, v3;
	v3 =	vmul.u32 $0x9, v44  }
0x5e: {  	v50 =	vld [tilespmem:$0x3A0];
	[tilespmem:$0xB20] =	vst v1;
	v1 =	vadd.s32 $0x6, v2;
	v2 =	vmul.u32 $0x9, v45  }
0x5f: {  	v51 =	vld [tilespmem:$0x3B0];
	[tilespmem:$0xB30] =	vst v1;
	v1 =	vadd.s32 $0x6, v3;
	v3 =	vmul.u32 $0x9, v46  }
0x60: {  	v52 =	vld [tilespmem:$0x3C0];
	[tilespmem:$0xB40] =	vst v1;
	v1 =	vadd.s32 $0x6, v2;
	v2 =	vmul.u32 $0x9, v47  }
0x61: {  	v53 =	vld [tilespmem:$0x3D0];
	[tilespmem:$0xB50] =	vst v1;
	v1 =	vadd.s32 $0x6, v3;
	v3 =	vmul.u32 $0x9, v48  }
0x62: {  	v54 =	vld [tilespmem:$0x3E0];
	[tilespmem:$0xB60] =	vst v1;
	v1 =	vadd.s32 $0x6, v2;
	v2 =	vmul.u32 $0x9, v49  }
0x63: {  	v55 =	vld [tilespmem:$0x3F0];
	[tilespmem:$0xB70] =	vst v1;
	v1 =	vadd.s32 $0x7, v3;
	v3 =	vmul.u32 $0x9, v50  }
0x64: {  	v56 =	vld [tilespmem:$0x400];
	[tilespmem:$0xB80] =	vst v1;
	v1 =	vadd.s32 $0x7, v2;
	v2 =	vmul.u32 $0x9, v51  }
0x65: {  	v57 =	vld [tilespmem:$0x410];
	[tilespmem:$0xB90] =	vst v1;
	v1 =	vadd.s32 $0x7, v3;
	v3 =	vmul.u32 $0x9, v52  }
0x66: {  	v58 =	vld [tilespmem:$0x420];
	[tilespmem:$0xBA0] =	vst v1;
	v1 =	vadd.s32 $0x7, v2;
	v2 =	vmul.u32 $0x9, v53  }
0x67: {  	v59 =	vld [tilespmem:$0x430];
	[tilespmem:$0xBB0] =	vst v1;
	v1 =	vadd.s32 $0x7, v3;
	v3 =	vmul.u32 $0x9, v54  }
0x68: {  	v60 =	vld [tilespmem:$0x440];
	[tilespmem:$0xBC0] =	vst v1;
	v1 =	vadd.s32 $0x7, v2;
	v2 =	vmul.u32 $0x9, v55  }
0x69: {  	v61 =	vld [tilespmem:$0x450];
	[tilespmem:$0xBD0] =	vst v1;
	v1 =	vadd.s32 $0x7, v3;
	v3 =	vmul.u32 $0x9, v56  }
0x6a: {  	v62 =	vld [tilespmem:$0x460];
	[tilespmem:$0xBE0] =	vst v1;
	v1 =	vadd.s32 $0x7, v2;
	v2 =	vmul.u32 $0x9, v57  }
0x6b: {  	v63 =	vld [tilespmem:$0x470];
	[tilespmem:$0xBF0] =	vst v1;
	v1 =	vadd.s32 $0x8, v3;
	v3 =	vmul.u32 $0x9, v58  }
0x6c: {  	[tilespmem:$0xC00] =	vst v1;
	v1 =	vadd.s32 $0x8, v2;
	v2 =	vmul.u32 $0x9, v59  }
0x6d: {  	[tilespmem:$0xC10] =	vst v1;
	v1 =	vadd.s32 $0x8, v3;
	v3 =	vmul.u32 $0x9, v60  }
0x6e: {  	[tilespmem:$0xC20] =	vst v1;
	v1 =	vadd.s32 $0x8, v2;
	v2 =	vmul.u32 $0x9, v61  }
0x6f: {  	[tilespmem:$0xC30] =	vst v1;
	v1 =	vadd.s32 $0x8, v3;
	v3 =	vmul.u32 $0x9, v62  }
0x70: {  	[tilespmem:$0xC40] =	vst v1;
	v1 =	vadd.s32 $0x8, v2;
	v2 =	vmul.u32 $0x9, v63  }
0x71: {  	[tilespmem:$0xC50] =	vst v1;
	v1 =	vadd.s32 $0x8, v3  }
0x72: {  	[tilespmem:$0xC60] =	vst v1;
	v1 =	vadd.s32 $0x8, v2  }
0x73: {  	s26 =	simm.s32 $0x0;
	s28 =	simm.s32 $0x200;
	[tilespmem:$0xC70] =	vst v1  }
.LBB2_4:
0x74: {  	p0 =	sne.s32 s28, $0xFE00;
	[tilespmem:s26+$0x1070] =	vst v0  }
0x75: {  	[tilespmem:s26+$0x1000] =	vst v0  }
0x76: {  	[tilespmem:s26+$0x1010] =	vst v0  }
.Ltmp5:
0x77: {  	[tilespmem:s26+$0x1020] =	vst v0;
	(pc) =	sbr.rel @p0 .LBB2_4-.Ltmp5, $4  }
0x78: {  	[tilespmem:s26+$0x1030] =	vst v0  }
0x79: {  	[tilespmem:s26+$0x1040] =	vst v0  }
0x7a: {  	[tilespmem:s26+$0x1050] =	vst v0  }
0x7b: {  	[tilespmem:s26+$0x1060] =	vst v0;
	s26 =	sshra.s32 s28, $0x2;
	s28 =	sadd.s32 $0x200, s28  }
0x7c: {  	[tilespmem:s26+$0x1070] =	vst v0  }
0x7d: {  	[tilespmem:s26+$0x1000] =	vst v0  }
0x7e: {  	[tilespmem:s26+$0x1010] =	vst v0  }
0x7f: {  	[tilespmem:s26+$0x1020] =	vst v0  }
0x80: {  	[tilespmem:s26+$0x1030] =	vst v0  }
0x81: {  	[tilespmem:s26+$0x1040] =	vst v0  }
0x82: {  	[tilespmem:s26+$0x1050] =	vst v0  }
0x83: {  	[tilespmem:s26+$0x1060] =	vst v0  }
0x84: {  	[tilespmem:s12], [sflag:$0x1] =	stream.indirect.gather.add.f32 [hbm:s5], $0x80, s11, s10, $0xb8;
	[tilespmem:$0x5000] =	vst v63  }
0x85: {  	_ = 	snop  }
0x86: {  	[tilespmem:s12], [sflag:$0x1] =	stream.indirect.gather.add.f32 [hbm:s5], $0x80, s13, s10, $0xb8;
	[tilespmem:$0x5000] =	vst v63  }
0x87: {  	_ = 	snop  }
0x88: {  	[tilespmem:s12], [sflag:$0x1] =	stream.indirect.gather.add.f32 [hbm:s5], $0x80, s14, s10, $0xb8;
	[tilespmem:$0x5000] =	vst v63  }
0x89: {  	_ = 	snop  }
0x8a: {  	[tilespmem:s12], [sflag:$0x1] =	stream.indirect.gather.add.f32 [hbm:s5], $0x80, s15, s10, $0xb8;
	[tilespmem:$0x5000] =	vst v63  }
0x8b: {  	_ = 	snop  }
0x8c: {  	[tilespmem:s12], [sflag:$0x1] =	stream.indirect.gather.add.f32 [hbm:s5], $0x80, s16, s10, $0xb8;
	[tilespmem:$0x5000] =	vst v63  }
0x8d: {  	_ = 	snop  }
0x8e: {  	[tilespmem:s12], [sflag:$0x1] =	stream.indirect.gather.add.f32 [hbm:s5], $0x80, s17, s10, $0xb8;
	[tilespmem:$0x5000] =	vst v63  }
0x8f: {  	_ = 	snop  }
0x90: {  	[tilespmem:s12], [sflag:$0x1] =	stream.indirect.gather.add.f32 [hbm:s5], $0x80, s18, s10, $0xb8;
	[tilespmem:$0x5000] =	vst v63  }
0x91: {  	_ = 	snop  }
0x92: {  	[tilespmem:s12], [sflag:$0x1] =	stream.indirect.gather.add.f32 [hbm:s5], $0x80, s19, s10, $0xb8;
	[tilespmem:$0x5000] =	vst v63  }
0x93: {  	_ = 	snop  }
0x94: {  	[tilespmem:s12], [sflag:$0x1] =	stream.indirect.gather.add.f32 [hbm:s5], $0x80, s20, s10, $0xb8;
	[tilespmem:$0x5000] =	vst v63  }
0x95: {  	_ =	swait.ge [sflag:s21], $0x4000  }
0x96: {  	[sflag:s21] =	ssyncset.done $0x0  }
0x97: {  	[sflag:s21] =	ssyncadd.s32 $0xFFFFC000  }
0x98: {  	_ =	swait.ge [sflag:s21], $0x4000  }
0x99: {  	[sflag:s21] =	ssyncset.done $0x0  }
0x9a: {  	[sflag:s21] =	ssyncadd.s32 $0xFFFFC000  }
0x9b: {  	_ =	swait.ge [sflag:s21], $0x4000  }
0x9c: {  	[sflag:s21] =	ssyncset.done $0x0  }
0x9d: {  	[sflag:s21] =	ssyncadd.s32 $0xFFFFC000  }
0x9e: {  	_ =	swait.ge [sflag:s21], $0x4000  }
0x9f: {  	[sflag:s21] =	ssyncset.done $0x0  }
0xa0: {  	[sflag:s21] =	ssyncadd.s32 $0xFFFFC000  }
0xa1: {  	_ =	swait.ge [sflag:s21], $0x4000  }
0xa2: {  	[sflag:s21] =	ssyncset.done $0x0  }
0xa3: {  	[sflag:s21] =	ssyncadd.s32 $0xFFFFC000  }
0xa4: {  	_ =	swait.ge [sflag:s21], $0x4000  }
0xa5: {  	[sflag:s21] =	ssyncset.done $0x0  }
0xa6: {  	[sflag:s21] =	ssyncadd.s32 $0xFFFFC000  }
0xa7: {  	_ =	swait.ge [sflag:s21], $0x4000  }
0xa8: {  	[sflag:s21] =	ssyncset.done $0x0  }
0xa9: {  	[sflag:s21] =	ssyncadd.s32 $0xFFFFC000  }
0xaa: {  	_ =	swait.ge [sflag:s21], $0x4000  }
0xab: {  	[sflag:s21] =	ssyncset.done $0x0  }
0xac: {  	[sflag:s21] =	ssyncadd.s32 $0xFFFFC000  }
0xad: {  	_ =	swait.ge [sflag:s21], $0x4000  }
0xae: {  	s25 =	sshll.u32 s25, $0xB;
	[sflag:s21] =	ssyncset.done $0x0  }
.Ltmp6:
0xaf: {  	s25 =	sadd.s32 s6, s25;
	[sflag:s21] =	ssyncadd.s32 $0xFFFFC000;
	(pc) =	sbr.rel .LBB2_6-.Ltmp6, $4  }
0xb0: {  	[hbm4b:s25+s2] =	stream.linear.scatter [tilespmem:s12], [sflag:$0x2], $0x4000, $0x38;
	[tilespmem:$0x5000] =	vst v63  }
0xb1: {  	_ =	swait.ge [sflag:s22], $0x4000  }
0xb2: {  	[sflag:s22] =	ssyncset.done $0x0  }
0xb3: {  	[sflag:s22] =	ssyncadd.s32 $0xFFFFC000  }
.LBB2_8:
0xb4: {  	_ =	sfence.sel $0x180000  }
0xb5: {  	[bflag:$0x0] =	sbarrier.arrive $0xFFFF  }
0xb6: {  	p0 =	sne.s32 s4, $0x0;
	_ =	strace $0x90000047  }
0xb7: {  	s0 =	sadd.s32 @!p0 $0x100000, s0;
	[bflag:$0x2] =	sbarrier.arrive $0xFFFF  }
0xb8: {  	[sflag:s0] =	ssyncadd.tile.s32 @!p0 $0x1;
	_ =	shalt  }
.Lfunc_end2:
_tile_overlayer_lowered:
.L_overlay_start_2:
0xb9: {  	(tag) =	ssettag $0x2  }
0xba: {  	s0 =	rddreg [dreg:$0x0];
	s2 =	stileid.u32  }
0xbb: {  	s1 =	rddreg [dreg:$0x1];
	p0 =	sne.s32 s2, $0x0  }
0xbc: {  	s3 =	rddreg [dreg:$0x2];
	[bflag:$0x3] =	sbarrier.arrive $0xFFFF;
	s2 =	simm.s32 @!p0 $0x1C02  }
0xbd: {  	[timem:s3], [sflag:s2] =	dma.local @!p0 [hbm:s0], s1  }
0xbe: {  	s0 =	simm.s32 @!p0 $0x2  }
0xbf: {  	_ =	swait.ge @!p0 [sflag:s0], s1  }
0xc0: {  	s1 =	ssub.s32 @!p0 $0x0, s1;
	[sflag:s0] =	ssyncset.done @!p0 $0x0  }
0xc1: {  	[sflag:s0] =	ssyncadd.s32 @!p0 s1  }
0xc2: {  	[bflag:$0x3] =	sbarrier.arrive $0xFFFF  }
0xc3: {  	_ =	shalt  }

</sc_bundles>
